<compile_context>
chip_gen: v7x
topology: tpu7x:2x2x1
jax: 0.10.2.dev20260603
libtpu: 0.0.44.dev20260713+nightly
codegen_flags: <defaults>
</compile_context>

<pallas_src>
import functools

import jax
import jax.numpy as jnp
from jax.experimental import pallas as pl
from jax.experimental.pallas import tpu as pltpu

_NEG_RATIO = 3
_N_CLASSES = 21
_IOU_THRESH = 0.5
_B, _P, _M = 16, 32768, 32
_SL, _LN = 256, 128


def _loss_kernel(clf_ref, reg_ref, priors_ref, boxes_ref, labels_ref, out_ref):
    img = pl.program_id(0)

    px1 = priors_ref[0]
    py1 = priors_ref[1]
    px2 = priors_ref[2]
    py2 = priors_ref[3]
    parea = (px2 - px1) * (py2 - py1)

    iota_p = (
        jax.lax.broadcasted_iota(jnp.int32, (_SL, _LN), 0) * _LN
        + jax.lax.broadcasted_iota(jnp.int32, (_SL, _LN), 1)
    )

    def match_body(m, carry):
        best_iou, mlab, mb0, mb1, mb2, mb3 = carry
        bx1 = boxes_ref[0, m, 0]
        by1 = boxes_ref[0, m, 1]
        bx2 = boxes_ref[0, m, 2]
        by2 = boxes_ref[0, m, 3]
        barea = (bx2 - bx1) * (by2 - by1)
        iw = jnp.maximum(jnp.minimum(px2, bx2) - jnp.maximum(px1, bx1), 0.0)
        ih = jnp.maximum(jnp.minimum(py2, by2) - jnp.maximum(py1, by1), 0.0)
        inter = iw * ih
        iou = inter / (parea + barea - inter + 1e-9)
        rmax = jnp.max(iou)
        pmin = jnp.min(jnp.where(iou == rmax, iota_p, _P))
        iou = jnp.where(iota_p == pmin, 1.0, iou)
        upd = iou > best_iou
        best_iou = jnp.where(upd, iou, best_iou)
        labf = labels_ref[0, 0, m].astype(jnp.float32)
        mlab = jnp.where(upd, labf, mlab)
        mb0 = jnp.where(upd, bx1, mb0)
        mb1 = jnp.where(upd, by1, mb1)
        mb2 = jnp.where(upd, bx2, mb2)
        mb3 = jnp.where(upd, by2, mb3)
        return best_iou, mlab, mb0, mb1, mb2, mb3

    zeros = jnp.zeros((_SL, _LN), jnp.float32)
    best_iou, mlab, mb0, mb1, mb2, mb3 = jax.lax.fori_loop(
        0, _M, match_body, (jnp.full((_SL, _LN), -1.0, jnp.float32),
                            zeros, zeros, zeros, zeros, zeros),
        unroll=4)

    mlab = jnp.where(best_iou > _IOU_THRESH, mlab, 0.0)
    pos = mlab > 0.0
    n_pos = jnp.sum(pos.astype(jnp.int32))
    k_neg = _NEG_RATIO * n_pos

    mlab_i = mlab.astype(jnp.int32)
    c0 = clf_ref[0, 0]
    maxc = c0
    for c in range(1, _N_CLASSES):
        maxc = jnp.maximum(maxc, clf_ref[0, c])
    es = jnp.exp(c0 - maxc)
    cmatch = jnp.where(mlab_i == 0, c0, 0.0)
    for c in range(1, _N_CLASSES):
        x = clf_ref[0, c]
        es += jnp.exp(x - maxc)
        cmatch = jnp.where(mlab_i == c, x, cmatch)
    lse = maxc + jnp.log(es)
    nll = lse - cmatch
    pos_sum = jnp.sum(jnp.where(pos, nll, 0.0))

    bg = jnp.where(pos, 0.0, lse - c0)

    se = ((reg_ref[0, 0] - mb0) ** 2 + (reg_ref[0, 1] - mb1) ** 2
          + (reg_ref[0, 2] - mb2) ** 2 + (reg_ref[0, 3] - mb3) ** 2)
    reg_sum = jnp.sum(jnp.where(pos, se, 0.0))

    v = jax.lax.bitcast_convert_type(bg, jnp.int32)

    prefix = jnp.int32(0)
    cand = jnp.int32(1 << 30)
    cnt = jnp.sum((v >= cand).astype(jnp.int32))
    prefix = jnp.where(cnt >= k_neg, cand, prefix)
    for h in range(28, -2, -2):
        c1 = prefix | jnp.int32(1 << h)
        c2 = prefix | jnp.int32(2 << h)
        c3 = prefix | jnp.int32(3 << h)
        n1 = jnp.sum((v >= c1).astype(jnp.int32))
        n2 = jnp.sum((v >= c2).astype(jnp.int32))
        n3 = jnp.sum((v >= c3).astype(jnp.int32))
        prefix = jnp.where(
            n3 >= k_neg, c3,
            jnp.where(n2 >= k_neg, c2, jnp.where(n1 >= k_neg, c1, prefix)))
    gt_mask = v > prefix
    cnt_gt = jnp.sum(gt_mask.astype(jnp.int32))
    sum_gt = jnp.sum(jnp.where(gt_mask, bg, 0.0))
    t_val = jax.lax.bitcast_convert_type(prefix, jnp.float32)
    tie_cnt = (k_neg - cnt_gt).astype(jnp.float32)
    neg_sum = sum_gt + jnp.where(k_neg > cnt_gt, tie_cnt * t_val, 0.0)

    n_posf = n_pos.astype(jnp.float32)
    clf_l = (pos_sum / jnp.maximum(n_posf, 1.0)
             + neg_sum / jnp.maximum(_NEG_RATIO * n_posf, 1.0))
    reg_l = reg_sum / jnp.maximum(4.0 * n_posf, 1.0)

    @pl.when(img == 0)
    def _():
        out_ref[0, 0] = 0.0

    out_ref[0, 0] += (clf_l + reg_l) * (1.0 / _B)


@jax.jit
def kernel(clf_preds, reg_preds, priors, gt_boxes, gt_labels):
    clf_t = clf_preds.transpose(0, 2, 1).reshape(_B, _N_CLASSES, _SL, _LN)
    reg_t = reg_preds.transpose(0, 2, 1).reshape(_B, 4, _SL, _LN)
    priors_t = priors.T.reshape(4, _SL, _LN)

    out = pl.pallas_call(
        _loss_kernel,
        grid=(_B,),
        in_specs=[
            pl.BlockSpec((1, _N_CLASSES, _SL, _LN), lambda i: (i, 0, 0, 0)),
            pl.BlockSpec((1, 4, _SL, _LN), lambda i: (i, 0, 0, 0)),
            pl.BlockSpec((4, _SL, _LN), lambda i: (0, 0, 0)),
            pl.BlockSpec((1, _M, 4), lambda i: (i, 0, 0),
                         memory_space=pltpu.SMEM),
            pl.BlockSpec((1, 1, _M), lambda i: (i, 0, 0),
                         memory_space=pltpu.SMEM),
        ],
        out_specs=pl.BlockSpec((1, 1), lambda i: (0, 0),
                               memory_space=pltpu.SMEM),
        out_shape=jax.ShapeDtypeStruct((1, 1), jnp.float32),
    )(clf_t, reg_t, priors_t, gt_boxes, gt_labels.reshape(_B, 1, _M))
    return out[0, 0]

# --- scband reference (transcript-rebuilt; emitter-appended) ---
"""Pipeline reference for scband-detector-criterion-90271622627842 (READ-ONLY COPY).

The authoritative reference and input builder live on the scoring server;
editing this copy changes nothing except your own understanding.
"""

import jax, jax.numpy as jnp
import numpy as np

NEG_RATIO = 3
N_CLASSES = 21
REG_ALPHA = 1.0
IOU_THRESH = 0.5
B, P, M = 16, 32768, 32


def _to_corners(raw):
    cxcy = raw[:, :2]
    wh = raw[:, 2:] * 0.3 + 0.01
    return jnp.concatenate([cxcy - wh / 2.0, cxcy + wh / 2.0], axis=-1)


def _iou(a, b):
    tl = jnp.maximum(a[:, None, :2], b[None, :, :2])
    br = jnp.minimum(a[:, None, 2:], b[None, :, 2:])
    wh = jnp.clip(br - tl, 0.0, None)
    inter = wh[..., 0] * wh[..., 1]
    area_a = (a[:, 2] - a[:, 0]) * (a[:, 3] - a[:, 1])
    area_b = (b[:, 2] - b[:, 0]) * (b[:, 3] - b[:, 1])
    return inter / (area_a[:, None] + area_b[None, :] - inter + 1e-9)


def setup_inputs(seed: int = 0) -> dict:
    key = jax.random.key(seed)
    k1, k2, k3, k4, k5 = jax.random.split(key, 5)
    clf_preds = jax.random.normal(k1, (B, P, N_CLASSES), dtype=jnp.float32)
    reg_preds = jax.random.normal(k2, (B, P, 4), dtype=jnp.float32)
    priors = _to_corners(jax.random.uniform(k3, (P, 4), dtype=jnp.float32))
    gt_raw = jax.random.uniform(k4, (B, M, 4), dtype=jnp.float32)
    gt_boxes = jax.vmap(_to_corners)(gt_raw)
    gt_labels = jax.random.randint(k5, (B, M), 1, N_CLASSES)
    return {"clf_preds": clf_preds, "reg_preds": reg_preds, "priors": priors,
            "gt_boxes": gt_boxes, "gt_labels": gt_labels}


def _per_image(clf, reg, boxes, labels, priors):
    ious = _iou(priors, boxes)  # [P, M]
    # force the best prior for each gt object to match it
    best_prior_per_obj = jnp.argmax(ious, axis=0)  # [M]
    ious = ious.at[best_prior_per_obj, jnp.arange(M)].set(1.0)
    best_obj_per_prior = jnp.argmax(ious, axis=1)  # [P]
    best_iou = jnp.max(ious, axis=1)               # [P]
    matched_labels = jnp.where(best_iou > IOU_THRESH, labels[best_obj_per_prior], 0)
    pos = matched_labels > 0
    n_pos = jnp.sum(pos)
    n_neg = NEG_RATIO * n_pos
    logp = jax.nn.log_softmax(clf, axis=-1)
    nll = -jnp.take_along_axis(logp, matched_labels[:, None], axis=1)[:, 0]
    pos_clf = jnp.sum(jnp.where(pos, nll, 0.0)) / jnp.maximum(n_pos, 1)
    # hard negative mining: background NLL of negatives, take top n_neg
    bg_nll = jnp.where(pos, 0.0, -logp[:, 0])
    sorted_neg = -jnp.sort(-bg_nll)
    neg_mask = jnp.arange(P) < n_neg
    neg_clf = jnp.sum(jnp.where(neg_mask, sorted_neg, 0.0)) / jnp.maximum(n_neg, 1)
    matched_boxes = boxes[best_obj_per_prior]
    reg_loss = jnp.sum(jnp.where(pos[:, None], (reg - matched_boxes) ** 2, 0.0)) / jnp.maximum(4 * n_pos, 1)
    return pos_clf + neg_clf, reg_loss


def reference(clf_preds, reg_preds, priors, gt_boxes, gt_labels):
    clf_l, reg_l = jax.vmap(lambda c, r, b, l: _per_image(c, r, b, l, priors))(
        clf_preds, reg_preds, gt_boxes, gt_labels)
    return jnp.mean(clf_l) + REG_ALPHA * jnp.mean(reg_l)

if __name__ == "__main__":
    import jax
    _d = setup_inputs()
    print(jax.jit(kernel)(*tuple(_d.values())))

</pallas_src>

<mosaic_0001>
module attributes {stable_mosaic.version = 14 : i64} {
  func.func @_loss_kernel(%arg0: i32, %arg1: memref<1x21x256x128xf32, #tpu.memory_space<vmem>>, %arg2: memref<1x4x256x128xf32, #tpu.memory_space<vmem>>, %arg3: memref<4x256x128xf32, #tpu.memory_space<vmem>>, %arg4: memref<1x32x4xf32, #tpu.memory_space<smem>>, %arg5: memref<1x1x32xi32, #tpu.memory_space<smem>>, %arg6: memref<1x1xf32, #tpu.memory_space<smem>>) attributes {dimension_semantics = [#tpu.dimension_semantics<arbitrary>], iteration_bounds = array<i64: 16>, scalar_prefetch = 0 : i64, scratch_operands = 0 : i64, tpu.core_type = #tpu.core_type<tc>, window_params = [{transform_indices = @transform_0, window_bounds = array<i64: 1, 21, 256, 128>}, {transform_indices = @transform_1, window_bounds = array<i64: 1, 4, 256, 128>}, {pipeline_mode = #tpu.pipeline_mode<synchronous>, transform_indices = @transform_2, window_bounds = array<i64: 4, 256, 128>}, {transform_indices = @transform_3, window_bounds = array<i64: 1, 32, 4>}, {transform_indices = @transform_4, window_bounds = array<i64: 1, 1, 32>}, {transform_indices = @transform_5, window_bounds = array<i64: 1, 1>}]} {
    %get3A = arith.constant 0 : index
    %get3A_0 = arith.constant 0 : index
    %get3A_1 = arith.constant 0 : index
    %get3A_2 = vector.load %arg3[%get3A, %get3A_0, %get3A_1] : memref<4x256x128xf32, #tpu.memory_space<vmem>>, vector<1x256x128xf32>
    %get3A_3 = vector.shape_cast %get3A_2 : vector<1x256x128xf32> to vector<256x128xf32>
    %get3A_4 = arith.constant 1 : index
    %get3A_5 = arith.constant 0 : index
    %get3A_6 = arith.constant 0 : index
    %get3A_7 = vector.load %arg3[%get3A_4, %get3A_5, %get3A_6] : memref<4x256x128xf32, #tpu.memory_space<vmem>>, vector<1x256x128xf32>
    %get3A_8 = vector.shape_cast %get3A_7 : vector<1x256x128xf32> to vector<256x128xf32>
    %get3A_9 = arith.constant 2 : index
    %get3A_10 = arith.constant 0 : index
    %get3A_11 = arith.constant 0 : index
    %get3A_12 = vector.load %arg3[%get3A_9, %get3A_10, %get3A_11] : memref<4x256x128xf32, #tpu.memory_space<vmem>>, vector<1x256x128xf32>
    %get3A_13 = vector.shape_cast %get3A_12 : vector<1x256x128xf32> to vector<256x128xf32>
    %get3A_14 = arith.constant 3 : index
    %get3A_15 = arith.constant 0 : index
    %get3A_16 = arith.constant 0 : index
    %get3A_17 = vector.load %arg3[%get3A_14, %get3A_15, %get3A_16] : memref<4x256x128xf32, #tpu.memory_space<vmem>>, vector<1x256x128xf32>
    %get3A_18 = vector.shape_cast %get3A_17 : vector<1x256x128xf32> to vector<256x128xf32>
    %sub3A = arith.subf %get3A_13, %get3A_3 : vector<256x128xf32>
    %sub3A_19 = arith.subf %get3A_18, %get3A_8 : vector<256x128xf32>
    %mul3A = arith.mulf %sub3A, %sub3A_19 : vector<256x128xf32>
    %iota3A = tpu.iota {dimensions = array<i32: 0>} : vector<256x128xi32>
    %mul3A_20 = arith.constant 128 : i32
    %mul3A_21 = vector.broadcast %mul3A_20 : i32 to vector<256x128xi32>
    %mul3A_22 = arith.muli %iota3A, %mul3A_21 : vector<256x128xi32>
    %iota3A_23 = tpu.iota {dimensions = array<i32: 1>} : vector<256x128xi32>
    %add3A = arith.addi %mul3A_22, %iota3A_23 : vector<256x128xi32>
    %broadcast_in_dim3A = arith.constant 0.000000e+00 : f32
    %broadcast_in_dim3A_24 = vector.broadcast %broadcast_in_dim3A : f32 to vector<256x128xf32>
    %broadcast_in_dim3A_25 = arith.constant -1.000000e+00 : f32
    %broadcast_in_dim3A_26 = vector.broadcast %broadcast_in_dim3A_25 : f32 to vector<256x128xf32>
    %scan3A = arith.constant 0 : i32
    %scan3A_27 = arith.constant 32 : i32
    %scan3A_28 = arith.addi %scan3A, %scan3A_27 : i32
    %scan3A_29 = arith.constant 4 : i32
    %scan3A_30:6 = scf.for %scan3A_1114 = %scan3A to %scan3A_28 step %scan3A_29 iter_args(%scan3A_1115 = %broadcast_in_dim3A_26, %scan3A_1116 = %broadcast_in_dim3A_24, %scan3A_1117 = %broadcast_in_dim3A_24, %scan3A_1118 = %broadcast_in_dim3A_24, %scan3A_1119 = %broadcast_in_dim3A_24, %scan3A_1120 = %broadcast_in_dim3A_24) -> (vector<256x128xf32>, vector<256x128xf32>, vector<256x128xf32>, vector<256x128xf32>, vector<256x128xf32>, vector<256x128xf32>)  : i32 {
      %get3A_1121 = arith.constant 0 : index
      %get3A_1122 = arith.index_cast %scan3A_1114 : i32 to index
      %get3A_1123 = arith.constant 0 : index
      %get3A_1124 = memref.load %arg4[%get3A_1121, %get3A_1122, %get3A_1123] : memref<1x32x4xf32, #tpu.memory_space<smem>>
      %get3A_1125 = arith.constant 0 : index
      %get3A_1126 = arith.index_cast %scan3A_1114 : i32 to index
      %get3A_1127 = arith.constant 1 : index
      %get3A_1128 = memref.load %arg4[%get3A_1125, %get3A_1126, %get3A_1127] : memref<1x32x4xf32, #tpu.memory_space<smem>>
      %get3A_1129 = arith.constant 0 : index
      %get3A_1130 = arith.index_cast %scan3A_1114 : i32 to index
      %get3A_1131 = arith.constant 2 : index
      %get3A_1132 = memref.load %arg4[%get3A_1129, %get3A_1130, %get3A_1131] : memref<1x32x4xf32, #tpu.memory_space<smem>>
      %get3A_1133 = arith.constant 0 : index
      %get3A_1134 = arith.index_cast %scan3A_1114 : i32 to index
      %get3A_1135 = arith.constant 3 : index
      %get3A_1136 = memref.load %arg4[%get3A_1133, %get3A_1134, %get3A_1135] : memref<1x32x4xf32, #tpu.memory_space<smem>>
      %sub3A_1137 = arith.subf %get3A_1132, %get3A_1124 : f32
      %sub3A_1138 = arith.subf %get3A_1136, %get3A_1128 : f32
      %mul3A_1139 = arith.mulf %sub3A_1137, %sub3A_1138 : f32
      %min3A = vector.broadcast %get3A_1132 : f32 to vector<256x128xf32>
      %min3A_1140 = arith.minimumf %get3A_13, %min3A : vector<256x128xf32>
      %max3A_1141 = vector.broadcast %get3A_1124 : f32 to vector<256x128xf32>
      %max3A_1142 = arith.maximumf %get3A_3, %max3A_1141 : vector<256x128xf32>
      %sub3A_1143 = arith.subf %min3A_1140, %max3A_1142 : vector<256x128xf32>
      %max3A_1144 = arith.constant 0.000000e+00 : f32
      %max3A_1145 = vector.broadcast %max3A_1144 : f32 to vector<256x128xf32>
      %max3A_1146 = arith.maximumf %sub3A_1143, %max3A_1145 : vector<256x128xf32>
      %min3A_1147 = vector.broadcast %get3A_1136 : f32 to vector<256x128xf32>
      %min3A_1148 = arith.minimumf %get3A_18, %min3A_1147 : vector<256x128xf32>
      %max3A_1149 = vector.broadcast %get3A_1128 : f32 to vector<256x128xf32>
      %max3A_1150 = arith.maximumf %get3A_8, %max3A_1149 : vector<256x128xf32>
      %sub3A_1151 = arith.subf %min3A_1148, %max3A_1150 : vector<256x128xf32>
      %max3A_1152 = arith.constant 0.000000e+00 : f32
      %max3A_1153 = vector.broadcast %max3A_1152 : f32 to vector<256x128xf32>
      %max3A_1154 = arith.maximumf %sub3A_1151, %max3A_1153 : vector<256x128xf32>
      %mul3A_1155 = arith.mulf %max3A_1146, %max3A_1154 : vector<256x128xf32>
      %add3A_1156 = vector.broadcast %mul3A_1139 : f32 to vector<256x128xf32>
      %add3A_1157 = arith.addf %mul3A, %add3A_1156 : vector<256x128xf32>
      %sub3A_1158 = arith.subf %add3A_1157, %mul3A_1155 : vector<256x128xf32>
      %add3A_1159 = arith.constant 9.99999971E-10 : f32
      %add3A_1160 = vector.broadcast %add3A_1159 : f32 to vector<256x128xf32>
      %add3A_1161 = arith.addf %sub3A_1158, %add3A_1160 : vector<256x128xf32>
      %div3A_1162 = arith.divf %mul3A_1155, %add3A_1161 : vector<256x128xf32>
      %reduce_max3A = vector.shape_cast %div3A_1162 : vector<256x128xf32> to vector<1x256x128xf32>
      %reduce_max3A_1163 = arith.constant dense<0xFF800000> : vector<1xf32>
      %reduce_max3A_1164 = vector.multi_reduction <maximumf>, %reduce_max3A, %reduce_max3A_1163 [1, 2] : vector<1x256x128xf32> to vector<1xf32>
      %reduce_max3A_1165 = vector.shape_cast %reduce_max3A_1164 : vector<1xf32> to vector<1x1x1xf32>
      %reduce_max3A_1166 = vector.extract %reduce_max3A_1165[0, 0, 0] : f32 from vector<1x1x1xf32>
      %eq3A_1167 = vector.broadcast %reduce_max3A_1166 : f32 to vector<256x128xf32>
      %eq3A_1168 = arith.cmpf oeq, %div3A_1162, %eq3A_1167 : vector<256x128xf32>
      %jit3A_1169 = arith.constant 32768 : i32
      %broadcast_in_dim3A_1170 = vector.broadcast %jit3A_1169 : i32 to vector<256x128xi32>
      %select_n3A_1171 = arith.select %eq3A_1168, %add3A, %broadcast_in_dim3A_1170 : vector<256x128xi1>, vector<256x128xi32>
      %reduce_min3A = vector.shape_cast %select_n3A_1171 : vector<256x128xi32> to vector<1x256x128xi32>
      %reduce_min3A_1172 = arith.constant dense<2147483647> : vector<1xi32>
      %reduce_min3A_1173 = vector.multi_reduction <minsi>, %reduce_min3A, %reduce_min3A_1172 [1, 2] : vector<1x256x128xi32> to vector<1xi32>
      %reduce_min3A_1174 = vector.shape_cast %reduce_min3A_1173 : vector<1xi32> to vector<1x1x1xi32>
      %reduce_min3A_1175 = vector.extract %reduce_min3A_1174[0, 0, 0] : i32 from vector<1x1x1xi32>
      %eq3A_1176 = vector.broadcast %reduce_min3A_1175 : i32 to vector<256x128xi32>
      %eq3A_1177 = arith.cmpi eq, %add3A, %eq3A_1176 : vector<256x128xi32>
      %jit3A_1178 = arith.constant 1.000000e+00 : f32
      %broadcast_in_dim3A_1179 = vector.broadcast %jit3A_1178 : f32 to vector<256x128xf32>
      %select_n3A_1180 = arith.select %eq3A_1177, %broadcast_in_dim3A_1179, %div3A_1162 : vector<256x128xi1>, vector<256x128xf32>
      %gt3A_1181 = arith.cmpf ogt, %select_n3A_1180, %scan3A_1115 : vector<256x128xf32>
      %select_n3A_1182 = arith.select %gt3A_1181, %select_n3A_1180, %scan3A_1115 : vector<256x128xi1>, vector<256x128xf32>
      %get3A_1183 = arith.constant 0 : index
      %get3A_1184 = arith.constant 0 : index
      %get3A_1185 = arith.index_cast %scan3A_1114 : i32 to index
      %get3A_1186 = memref.load %arg5[%get3A_1183, %get3A_1184, %get3A_1185] : memref<1x1x32xi32, #tpu.memory_space<smem>>
      %convert_element_type3A_1187 = arith.sitofp %get3A_1186 : i32 to f32
      %broadcast_in_dim3A_1188 = vector.broadcast %convert_element_type3A_1187 : f32 to vector<256x128xf32>
      %select_n3A_1189 = arith.select %gt3A_1181, %broadcast_in_dim3A_1188, %scan3A_1116 : vector<256x128xi1>, vector<256x128xf32>
      %broadcast_in_dim3A_1190 = vector.broadcast %get3A_1124 : f32 to vector<256x128xf32>
      %select_n3A_1191 = arith.select %gt3A_1181, %broadcast_in_dim3A_1190, %scan3A_1117 : vector<256x128xi1>, vector<256x128xf32>
      %broadcast_in_dim3A_1192 = vector.broadcast %get3A_1128 : f32 to vector<256x128xf32>
      %select_n3A_1193 = arith.select %gt3A_1181, %broadcast_in_dim3A_1192, %scan3A_1118 : vector<256x128xi1>, vector<256x128xf32>
      %broadcast_in_dim3A_1194 = vector.broadcast %get3A_1132 : f32 to vector<256x128xf32>
      %select_n3A_1195 = arith.select %gt3A_1181, %broadcast_in_dim3A_1194, %scan3A_1119 : vector<256x128xi1>, vector<256x128xf32>
      %broadcast_in_dim3A_1196 = vector.broadcast %get3A_1136 : f32 to vector<256x128xf32>
      %select_n3A_1197 = arith.select %gt3A_1181, %broadcast_in_dim3A_1196, %scan3A_1120 : vector<256x128xi1>, vector<256x128xf32>
      %scan3A_1198 = arith.constant 1 : i32
      %scan3A_1199 = arith.addi %scan3A_1114, %scan3A_1198 : i32
      %get3A_1200 = arith.constant 0 : index
      %get3A_1201 = arith.index_cast %scan3A_1199 : i32 to index
      %get3A_1202 = arith.constant 0 : index
      %get3A_1203 = memref.load %arg4[%get3A_1200, %get3A_1201, %get3A_1202] : memref<1x32x4xf32, #tpu.memory_space<smem>>
      %get3A_1204 = arith.constant 0 : index
      %get3A_1205 = arith.index_cast %scan3A_1199 : i32 to index
      %get3A_1206 = arith.constant 1 : index
      %get3A_1207 = memref.load %arg4[%get3A_1204, %get3A_1205, %get3A_1206] : memref<1x32x4xf32, #tpu.memory_space<smem>>
      %get3A_1208 = arith.constant 0 : index
      %get3A_1209 = arith.index_cast %scan3A_1199 : i32 to index
      %get3A_1210 = arith.constant 2 : index
      %get3A_1211 = memref.load %arg4[%get3A_1208, %get3A_1209, %get3A_1210] : memref<1x32x4xf32, #tpu.memory_space<smem>>
      %get3A_1212 = arith.constant 0 : index
      %get3A_1213 = arith.index_cast %scan3A_1199 : i32 to index
      %get3A_1214 = arith.constant 3 : index
      %get3A_1215 = memref.load %arg4[%get3A_1212, %get3A_1213, %get3A_1214] : memref<1x32x4xf32, #tpu.memory_space<smem>>
      %sub3A_1216 = arith.subf %get3A_1211, %get3A_1203 : f32
      %sub3A_1217 = arith.subf %get3A_1215, %get3A_1207 : f32
      %mul3A_1218 = arith.mulf %sub3A_1216, %sub3A_1217 : f32
      %min3A_1219 = vector.broadcast %get3A_1211 : f32 to vector<256x128xf32>
      %min3A_1220 = arith.minimumf %get3A_13, %min3A_1219 : vector<256x128xf32>
      %max3A_1221 = vector.broadcast %get3A_1203 : f32 to vector<256x128xf32>
      %max3A_1222 = arith.maximumf %get3A_3, %max3A_1221 : vector<256x128xf32>
      %sub3A_1223 = arith.subf %min3A_1220, %max3A_1222 : vector<256x128xf32>
      %max3A_1224 = arith.constant 0.000000e+00 : f32
      %max3A_1225 = vector.broadcast %max3A_1224 : f32 to vector<256x128xf32>
      %max3A_1226 = arith.maximumf %sub3A_1223, %max3A_1225 : vector<256x128xf32>
      %min3A_1227 = vector.broadcast %get3A_1215 : f32 to vector<256x128xf32>
      %min3A_1228 = arith.minimumf %get3A_18, %min3A_1227 : vector<256x128xf32>
      %max3A_1229 = vector.broadcast %get3A_1207 : f32 to vector<256x128xf32>
      %max3A_1230 = arith.maximumf %get3A_8, %max3A_1229 : vector<256x128xf32>
      %sub3A_1231 = arith.subf %min3A_1228, %max3A_1230 : vector<256x128xf32>
      %max3A_1232 = arith.constant 0.000000e+00 : f32
      %max3A_1233 = vector.broadcast %max3A_1232 : f32 to vector<256x128xf32>
      %max3A_1234 = arith.maximumf %sub3A_1231, %max3A_1233 : vector<256x128xf32>
      %mul3A_1235 = arith.mulf %max3A_1226, %max3A_1234 : vector<256x128xf32>
      %add3A_1236 = vector.broadcast %mul3A_1218 : f32 to vector<256x128xf32>
      %add3A_1237 = arith.addf %mul3A, %add3A_1236 : vector<256x128xf32>
      %sub3A_1238 = arith.subf %add3A_1237, %mul3A_1235 : vector<256x128xf32>
      %add3A_1239 = arith.constant 9.99999971E-10 : f32
      %add3A_1240 = vector.broadcast %add3A_1239 : f32 to vector<256x128xf32>
      %add3A_1241 = arith.addf %sub3A_1238, %add3A_1240 : vector<256x128xf32>
      %div3A_1242 = arith.divf %mul3A_1235, %add3A_1241 : vector<256x128xf32>
      %reduce_max3A_1243 = vector.shape_cast %div3A_1242 : vector<256x128xf32> to vector<1x256x128xf32>
      %reduce_max3A_1244 = arith.constant dense<0xFF800000> : vector<1xf32>
      %reduce_max3A_1245 = vector.multi_reduction <maximumf>, %reduce_max3A_1243, %reduce_max3A_1244 [1, 2] : vector<1x256x128xf32> to vector<1xf32>
      %reduce_max3A_1246 = vector.shape_cast %reduce_max3A_1245 : vector<1xf32> to vector<1x1x1xf32>
      %reduce_max3A_1247 = vector.extract %reduce_max3A_1246[0, 0, 0] : f32 from vector<1x1x1xf32>
      %eq3A_1248 = vector.broadcast %reduce_max3A_1247 : f32 to vector<256x128xf32>
      %eq3A_1249 = arith.cmpf oeq, %div3A_1242, %eq3A_1248 : vector<256x128xf32>
      %jit3A_1250 = arith.constant 32768 : i32
      %broadcast_in_dim3A_1251 = vector.broadcast %jit3A_1250 : i32 to vector<256x128xi32>
      %select_n3A_1252 = arith.select %eq3A_1249, %add3A, %broadcast_in_dim3A_1251 : vector<256x128xi1>, vector<256x128xi32>
      %reduce_min3A_1253 = vector.shape_cast %select_n3A_1252 : vector<256x128xi32> to vector<1x256x128xi32>
      %reduce_min3A_1254 = arith.constant dense<2147483647> : vector<1xi32>
      %reduce_min3A_1255 = vector.multi_reduction <minsi>, %reduce_min3A_1253, %reduce_min3A_1254 [1, 2] : vector<1x256x128xi32> to vector<1xi32>
      %reduce_min3A_1256 = vector.shape_cast %reduce_min3A_1255 : vector<1xi32> to vector<1x1x1xi32>
      %reduce_min3A_1257 = vector.extract %reduce_min3A_1256[0, 0, 0] : i32 from vector<1x1x1xi32>
      %eq3A_1258 = vector.broadcast %reduce_min3A_1257 : i32 to vector<256x128xi32>
      %eq3A_1259 = arith.cmpi eq, %add3A, %eq3A_1258 : vector<256x128xi32>
      %jit3A_1260 = arith.constant 1.000000e+00 : f32
      %broadcast_in_dim3A_1261 = vector.broadcast %jit3A_1260 : f32 to vector<256x128xf32>
      %select_n3A_1262 = arith.select %eq3A_1259, %broadcast_in_dim3A_1261, %div3A_1242 : vector<256x128xi1>, vector<256x128xf32>
      %gt3A_1263 = arith.cmpf ogt, %select_n3A_1262, %select_n3A_1182 : vector<256x128xf32>
      %select_n3A_1264 = arith.select %gt3A_1263, %select_n3A_1262, %select_n3A_1182 : vector<256x128xi1>, vector<256x128xf32>
      %get3A_1265 = arith.constant 0 : index
      %get3A_1266 = arith.constant 0 : index
      %get3A_1267 = arith.index_cast %scan3A_1199 : i32 to index
      %get3A_1268 = memref.load %arg5[%get3A_1265, %get3A_1266, %get3A_1267] : memref<1x1x32xi32, #tpu.memory_space<smem>>
      %convert_element_type3A_1269 = arith.sitofp %get3A_1268 : i32 to f32
      %broadcast_in_dim3A_1270 = vector.broadcast %convert_element_type3A_1269 : f32 to vector<256x128xf32>
      %select_n3A_1271 = arith.select %gt3A_1263, %broadcast_in_dim3A_1270, %select_n3A_1189 : vector<256x128xi1>, vector<256x128xf32>
      %broadcast_in_dim3A_1272 = vector.broadcast %get3A_1203 : f32 to vector<256x128xf32>
      %select_n3A_1273 = arith.select %gt3A_1263, %broadcast_in_dim3A_1272, %select_n3A_1191 : vector<256x128xi1>, vector<256x128xf32>
      %broadcast_in_dim3A_1274 = vector.broadcast %get3A_1207 : f32 to vector<256x128xf32>
      %select_n3A_1275 = arith.select %gt3A_1263, %broadcast_in_dim3A_1274, %select_n3A_1193 : vector<256x128xi1>, vector<256x128xf32>
      %broadcast_in_dim3A_1276 = vector.broadcast %get3A_1211 : f32 to vector<256x128xf32>
      %select_n3A_1277 = arith.select %gt3A_1263, %broadcast_in_dim3A_1276, %select_n3A_1195 : vector<256x128xi1>, vector<256x128xf32>
      %broadcast_in_dim3A_1278 = vector.broadcast %get3A_1215 : f32 to vector<256x128xf32>
      %select_n3A_1279 = arith.select %gt3A_1263, %broadcast_in_dim3A_1278, %select_n3A_1197 : vector<256x128xi1>, vector<256x128xf32>
      %scan3A_1280 = arith.constant 2 : i32
      %scan3A_1281 = arith.addi %scan3A_1114, %scan3A_1280 : i32
      %get3A_1282 = arith.constant 0 : index
      %get3A_1283 = arith.index_cast %scan3A_1281 : i32 to index
      %get3A_1284 = arith.constant 0 : index
      %get3A_1285 = memref.load %arg4[%get3A_1282, %get3A_1283, %get3A_1284] : memref<1x32x4xf32, #tpu.memory_space<smem>>
      %get3A_1286 = arith.constant 0 : index
      %get3A_1287 = arith.index_cast %scan3A_1281 : i32 to index
      %get3A_1288 = arith.constant 1 : index
      %get3A_1289 = memref.load %arg4[%get3A_1286, %get3A_1287, %get3A_1288] : memref<1x32x4xf32, #tpu.memory_space<smem>>
      %get3A_1290 = arith.constant 0 : index
      %get3A_1291 = arith.index_cast %scan3A_1281 : i32 to index
      %get3A_1292 = arith.constant 2 : index
      %get3A_1293 = memref.load %arg4[%get3A_1290, %get3A_1291, %get3A_1292] : memref<1x32x4xf32, #tpu.memory_space<smem>>
      %get3A_1294 = arith.constant 0 : index
      %get3A_1295 = arith.index_cast %scan3A_1281 : i32 to index
      %get3A_1296 = arith.constant 3 : index
      %get3A_1297 = memref.load %arg4[%get3A_1294, %get3A_1295, %get3A_1296] : memref<1x32x4xf32, #tpu.memory_space<smem>>
      %sub3A_1298 = arith.subf %get3A_1293, %get3A_1285 : f32
      %sub3A_1299 = arith.subf %get3A_1297, %get3A_1289 : f32
      %mul3A_1300 = arith.mulf %sub3A_1298, %sub3A_1299 : f32
      %min3A_1301 = vector.broadcast %get3A_1293 : f32 to vector<256x128xf32>
      %min3A_1302 = arith.minimumf %get3A_13, %min3A_1301 : vector<256x128xf32>
      %max3A_1303 = vector.broadcast %get3A_1285 : f32 to vector<256x128xf32>
      %max3A_1304 = arith.maximumf %get3A_3, %max3A_1303 : vector<256x128xf32>
      %sub3A_1305 = arith.subf %min3A_1302, %max3A_1304 : vector<256x128xf32>
      %max3A_1306 = arith.constant 0.000000e+00 : f32
      %max3A_1307 = vector.broadcast %max3A_1306 : f32 to vector<256x128xf32>
      %max3A_1308 = arith.maximumf %sub3A_1305, %max3A_1307 : vector<256x128xf32>
      %min3A_1309 = vector.broadcast %get3A_1297 : f32 to vector<256x128xf32>
      %min3A_1310 = arith.minimumf %get3A_18, %min3A_1309 : vector<256x128xf32>
      %max3A_1311 = vector.broadcast %get3A_1289 : f32 to vector<256x128xf32>
      %max3A_1312 = arith.maximumf %get3A_8, %max3A_1311 : vector<256x128xf32>
      %sub3A_1313 = arith.subf %min3A_1310, %max3A_1312 : vector<256x128xf32>
      %max3A_1314 = arith.constant 0.000000e+00 : f32
      %max3A_1315 = vector.broadcast %max3A_1314 : f32 to vector<256x128xf32>
      %max3A_1316 = arith.maximumf %sub3A_1313, %max3A_1315 : vector<256x128xf32>
      %mul3A_1317 = arith.mulf %max3A_1308, %max3A_1316 : vector<256x128xf32>
      %add3A_1318 = vector.broadcast %mul3A_1300 : f32 to vector<256x128xf32>
      %add3A_1319 = arith.addf %mul3A, %add3A_1318 : vector<256x128xf32>
      %sub3A_1320 = arith.subf %add3A_1319, %mul3A_1317 : vector<256x128xf32>
      %add3A_1321 = arith.constant 9.99999971E-10 : f32
      %add3A_1322 = vector.broadcast %add3A_1321 : f32 to vector<256x128xf32>
      %add3A_1323 = arith.addf %sub3A_1320, %add3A_1322 : vector<256x128xf32>
      %div3A_1324 = arith.divf %mul3A_1317, %add3A_1323 : vector<256x128xf32>
      %reduce_max3A_1325 = vector.shape_cast %div3A_1324 : vector<256x128xf32> to vector<1x256x128xf32>
      %reduce_max3A_1326 = arith.constant dense<0xFF800000> : vector<1xf32>
      %reduce_max3A_1327 = vector.multi_reduction <maximumf>, %reduce_max3A_1325, %reduce_max3A_1326 [1, 2] : vector<1x256x128xf32> to vector<1xf32>
      %reduce_max3A_1328 = vector.shape_cast %reduce_max3A_1327 : vector<1xf32> to vector<1x1x1xf32>
      %reduce_max3A_1329 = vector.extract %reduce_max3A_1328[0, 0, 0] : f32 from vector<1x1x1xf32>
      %eq3A_1330 = vector.broadcast %reduce_max3A_1329 : f32 to vector<256x128xf32>
      %eq3A_1331 = arith.cmpf oeq, %div3A_1324, %eq3A_1330 : vector<256x128xf32>
      %jit3A_1332 = arith.constant 32768 : i32
      %broadcast_in_dim3A_1333 = vector.broadcast %jit3A_1332 : i32 to vector<256x128xi32>
      %select_n3A_1334 = arith.select %eq3A_1331, %add3A, %broadcast_in_dim3A_1333 : vector<256x128xi1>, vector<256x128xi32>
      %reduce_min3A_1335 = vector.shape_cast %select_n3A_1334 : vector<256x128xi32> to vector<1x256x128xi32>
      %reduce_min3A_1336 = arith.constant dense<2147483647> : vector<1xi32>
      %reduce_min3A_1337 = vector.multi_reduction <minsi>, %reduce_min3A_1335, %reduce_min3A_1336 [1, 2] : vector<1x256x128xi32> to vector<1xi32>
      %reduce_min3A_1338 = vector.shape_cast %reduce_min3A_1337 : vector<1xi32> to vector<1x1x1xi32>
      %reduce_min3A_1339 = vector.extract %reduce_min3A_1338[0, 0, 0] : i32 from vector<1x1x1xi32>
      %eq3A_1340 = vector.broadcast %reduce_min3A_1339 : i32 to vector<256x128xi32>
      %eq3A_1341 = arith.cmpi eq, %add3A, %eq3A_1340 : vector<256x128xi32>
      %jit3A_1342 = arith.constant 1.000000e+00 : f32
      %broadcast_in_dim3A_1343 = vector.broadcast %jit3A_1342 : f32 to vector<256x128xf32>
      %select_n3A_1344 = arith.select %eq3A_1341, %broadcast_in_dim3A_1343, %div3A_1324 : vector<256x128xi1>, vector<256x128xf32>
      %gt3A_1345 = arith.cmpf ogt, %select_n3A_1344, %select_n3A_1264 : vector<256x128xf32>
      %select_n3A_1346 = arith.select %gt3A_1345, %select_n3A_1344, %select_n3A_1264 : vector<256x128xi1>, vector<256x128xf32>
      %get3A_1347 = arith.constant 0 : index
      %get3A_1348 = arith.constant 0 : index
      %get3A_1349 = arith.index_cast %scan3A_1281 : i32 to index
      %get3A_1350 = memref.load %arg5[%get3A_1347, %get3A_1348, %get3A_1349] : memref<1x1x32xi32, #tpu.memory_space<smem>>
      %convert_element_type3A_1351 = arith.sitofp %get3A_1350 : i32 to f32
      %broadcast_in_dim3A_1352 = vector.broadcast %convert_element_type3A_1351 : f32 to vector<256x128xf32>
      %select_n3A_1353 = arith.select %gt3A_1345, %broadcast_in_dim3A_1352, %select_n3A_1271 : vector<256x128xi1>, vector<256x128xf32>
      %broadcast_in_dim3A_1354 = vector.broadcast %get3A_1285 : f32 to vector<256x128xf32>
      %select_n3A_1355 = arith.select %gt3A_1345, %broadcast_in_dim3A_1354, %select_n3A_1273 : vector<256x128xi1>, vector<256x128xf32>
      %broadcast_in_dim3A_1356 = vector.broadcast %get3A_1289 : f32 to vector<256x128xf32>
      %select_n3A_1357 = arith.select %gt3A_1345, %broadcast_in_dim3A_1356, %select_n3A_1275 : vector<256x128xi1>, vector<256x128xf32>
      %broadcast_in_dim3A_1358 = vector.broadcast %get3A_1293 : f32 to vector<256x128xf32>
      %select_n3A_1359 = arith.select %gt3A_1345, %broadcast_in_dim3A_1358, %select_n3A_1277 : vector<256x128xi1>, vector<256x128xf32>
      %broadcast_in_dim3A_1360 = vector.broadcast %get3A_1297 : f32 to vector<256x128xf32>
      %select_n3A_1361 = arith.select %gt3A_1345, %broadcast_in_dim3A_1360, %select_n3A_1279 : vector<256x128xi1>, vector<256x128xf32>
      %scan3A_1362 = arith.constant 3 : i32
      %scan3A_1363 = arith.addi %scan3A_1114, %scan3A_1362 : i32
      %get3A_1364 = arith.constant 0 : index
      %get3A_1365 = arith.index_cast %scan3A_1363 : i32 to index
      %get3A_1366 = arith.constant 0 : index
      %get3A_1367 = memref.load %arg4[%get3A_1364, %get3A_1365, %get3A_1366] : memref<1x32x4xf32, #tpu.memory_space<smem>>
      %get3A_1368 = arith.constant 0 : index
      %get3A_1369 = arith.index_cast %scan3A_1363 : i32 to index
      %get3A_1370 = arith.constant 1 : index
      %get3A_1371 = memref.load %arg4[%get3A_1368, %get3A_1369, %get3A_1370] : memref<1x32x4xf32, #tpu.memory_space<smem>>
      %get3A_1372 = arith.constant 0 : index
      %get3A_1373 = arith.index_cast %scan3A_1363 : i32 to index
      %get3A_1374 = arith.constant 2 : index
      %get3A_1375 = memref.load %arg4[%get3A_1372, %get3A_1373, %get3A_1374] : memref<1x32x4xf32, #tpu.memory_space<smem>>
      %get3A_1376 = arith.constant 0 : index
      %get3A_1377 = arith.index_cast %scan3A_1363 : i32 to index
      %get3A_1378 = arith.constant 3 : index
      %get3A_1379 = memref.load %arg4[%get3A_1376, %get3A_1377, %get3A_1378] : memref<1x32x4xf32, #tpu.memory_space<smem>>
      %sub3A_1380 = arith.subf %get3A_1375, %get3A_1367 : f32
      %sub3A_1381 = arith.subf %get3A_1379, %get3A_1371 : f32
      %mul3A_1382 = arith.mulf %sub3A_1380, %sub3A_1381 : f32
      %min3A_1383 = vector.broadcast %get3A_1375 : f32 to vector<256x128xf32>
      %min3A_1384 = arith.minimumf %get3A_13, %min3A_1383 : vector<256x128xf32>
      %max3A_1385 = vector.broadcast %get3A_1367 : f32 to vector<256x128xf32>
      %max3A_1386 = arith.maximumf %get3A_3, %max3A_1385 : vector<256x128xf32>
      %sub3A_1387 = arith.subf %min3A_1384, %max3A_1386 : vector<256x128xf32>
      %max3A_1388 = arith.constant 0.000000e+00 : f32
      %max3A_1389 = vector.broadcast %max3A_1388 : f32 to vector<256x128xf32>
      %max3A_1390 = arith.maximumf %sub3A_1387, %max3A_1389 : vector<256x128xf32>
      %min3A_1391 = vector.broadcast %get3A_1379 : f32 to vector<256x128xf32>
      %min3A_1392 = arith.minimumf %get3A_18, %min3A_1391 : vector<256x128xf32>
      %max3A_1393 = vector.broadcast %get3A_1371 : f32 to vector<256x128xf32>
      %max3A_1394 = arith.maximumf %get3A_8, %max3A_1393 : vector<256x128xf32>
      %sub3A_1395 = arith.subf %min3A_1392, %max3A_1394 : vector<256x128xf32>
      %max3A_1396 = arith.constant 0.000000e+00 : f32
      %max3A_1397 = vector.broadcast %max3A_1396 : f32 to vector<256x128xf32>
      %max3A_1398 = arith.maximumf %sub3A_1395, %max3A_1397 : vector<256x128xf32>
      %mul3A_1399 = arith.mulf %max3A_1390, %max3A_1398 : vector<256x128xf32>
      %add3A_1400 = vector.broadcast %mul3A_1382 : f32 to vector<256x128xf32>
      %add3A_1401 = arith.addf %mul3A, %add3A_1400 : vector<256x128xf32>
      %sub3A_1402 = arith.subf %add3A_1401, %mul3A_1399 : vector<256x128xf32>
      %add3A_1403 = arith.constant 9.99999971E-10 : f32
      %add3A_1404 = vector.broadcast %add3A_1403 : f32 to vector<256x128xf32>
      %add3A_1405 = arith.addf %sub3A_1402, %add3A_1404 : vector<256x128xf32>
      %div3A_1406 = arith.divf %mul3A_1399, %add3A_1405 : vector<256x128xf32>
      %reduce_max3A_1407 = vector.shape_cast %div3A_1406 : vector<256x128xf32> to vector<1x256x128xf32>
      %reduce_max3A_1408 = arith.constant dense<0xFF800000> : vector<1xf32>
      %reduce_max3A_1409 = vector.multi_reduction <maximumf>, %reduce_max3A_1407, %reduce_max3A_1408 [1, 2] : vector<1x256x128xf32> to vector<1xf32>
      %reduce_max3A_1410 = vector.shape_cast %reduce_max3A_1409 : vector<1xf32> to vector<1x1x1xf32>
      %reduce_max3A_1411 = vector.extract %reduce_max3A_1410[0, 0, 0] : f32 from vector<1x1x1xf32>
      %eq3A_1412 = vector.broadcast %reduce_max3A_1411 : f32 to vector<256x128xf32>
      %eq3A_1413 = arith.cmpf oeq, %div3A_1406, %eq3A_1412 : vector<256x128xf32>
      %jit3A_1414 = arith.constant 32768 : i32
      %broadcast_in_dim3A_1415 = vector.broadcast %jit3A_1414 : i32 to vector<256x128xi32>
      %select_n3A_1416 = arith.select %eq3A_1413, %add3A, %broadcast_in_dim3A_1415 : vector<256x128xi1>, vector<256x128xi32>
      %reduce_min3A_1417 = vector.shape_cast %select_n3A_1416 : vector<256x128xi32> to vector<1x256x128xi32>
      %reduce_min3A_1418 = arith.constant dense<2147483647> : vector<1xi32>
      %reduce_min3A_1419 = vector.multi_reduction <minsi>, %reduce_min3A_1417, %reduce_min3A_1418 [1, 2] : vector<1x256x128xi32> to vector<1xi32>
      %reduce_min3A_1420 = vector.shape_cast %reduce_min3A_1419 : vector<1xi32> to vector<1x1x1xi32>
      %reduce_min3A_1421 = vector.extract %reduce_min3A_1420[0, 0, 0] : i32 from vector<1x1x1xi32>
      %eq3A_1422 = vector.broadcast %reduce_min3A_1421 : i32 to vector<256x128xi32>
      %eq3A_1423 = arith.cmpi eq, %add3A, %eq3A_1422 : vector<256x128xi32>
      %jit3A_1424 = arith.constant 1.000000e+00 : f32
      %broadcast_in_dim3A_1425 = vector.broadcast %jit3A_1424 : f32 to vector<256x128xf32>
      %select_n3A_1426 = arith.select %eq3A_1423, %broadcast_in_dim3A_1425, %div3A_1406 : vector<256x128xi1>, vector<256x128xf32>
      %gt3A_1427 = arith.cmpf ogt, %select_n3A_1426, %select_n3A_1346 : vector<256x128xf32>
      %select_n3A_1428 = arith.select %gt3A_1427, %select_n3A_1426, %select_n3A_1346 : vector<256x128xi1>, vector<256x128xf32>
      %get3A_1429 = arith.constant 0 : index
      %get3A_1430 = arith.constant 0 : index
      %get3A_1431 = arith.index_cast %scan3A_1363 : i32 to index
      %get3A_1432 = memref.load %arg5[%get3A_1429, %get3A_1430, %get3A_1431] : memref<1x1x32xi32, #tpu.memory_space<smem>>
      %convert_element_type3A_1433 = arith.sitofp %get3A_1432 : i32 to f32
      %broadcast_in_dim3A_1434 = vector.broadcast %convert_element_type3A_1433 : f32 to vector<256x128xf32>
      %select_n3A_1435 = arith.select %gt3A_1427, %broadcast_in_dim3A_1434, %select_n3A_1353 : vector<256x128xi1>, vector<256x128xf32>
      %broadcast_in_dim3A_1436 = vector.broadcast %get3A_1367 : f32 to vector<256x128xf32>
      %select_n3A_1437 = arith.select %gt3A_1427, %broadcast_in_dim3A_1436, %select_n3A_1355 : vector<256x128xi1>, vector<256x128xf32>
      %broadcast_in_dim3A_1438 = vector.broadcast %get3A_1371 : f32 to vector<256x128xf32>
      %select_n3A_1439 = arith.select %gt3A_1427, %broadcast_in_dim3A_1438, %select_n3A_1357 : vector<256x128xi1>, vector<256x128xf32>
      %broadcast_in_dim3A_1440 = vector.broadcast %get3A_1375 : f32 to vector<256x128xf32>
      %select_n3A_1441 = arith.select %gt3A_1427, %broadcast_in_dim3A_1440, %select_n3A_1359 : vector<256x128xi1>, vector<256x128xf32>
      %broadcast_in_dim3A_1442 = vector.broadcast %get3A_1379 : f32 to vector<256x128xf32>
      %select_n3A_1443 = arith.select %gt3A_1427, %broadcast_in_dim3A_1442, %select_n3A_1361 : vector<256x128xi1>, vector<256x128xf32>
      scf.yield %select_n3A_1428, %select_n3A_1435, %select_n3A_1437, %select_n3A_1439, %select_n3A_1441, %select_n3A_1443 : vector<256x128xf32>, vector<256x128xf32>, vector<256x128xf32>, vector<256x128xf32>, vector<256x128xf32>, vector<256x128xf32>
    }
    %scan3A_31 = arith.constant 32 : i32
    %gt3A = arith.constant 5.000000e-01 : f32
    %gt3A_32 = vector.broadcast %gt3A : f32 to vector<256x128xf32>
    %gt3A_33 = arith.cmpf ogt, %scan3A_30#0, %gt3A_32 : vector<256x128xf32>
    %jit3A = arith.constant 0.000000e+00 : f32
    %broadcast_in_dim3A_34 = vector.broadcast %jit3A : f32 to vector<256x128xf32>
    %select_n3A = arith.select %gt3A_33, %scan3A_30#1, %broadcast_in_dim3A_34 : vector<256x128xi1>, vector<256x128xf32>
    %gt3A_35 = arith.constant 0.000000e+00 : f32
    %gt3A_36 = vector.broadcast %gt3A_35 : f32 to vector<256x128xf32>
    %gt3A_37 = arith.cmpf ogt, %select_n3A, %gt3A_36 : vector<256x128xf32>
    %convert_element_type3A = arith.extui %gt3A_37 : vector<256x128xi1> to vector<256x128xi32>
    %reduce_sum3A = vector.shape_cast %convert_element_type3A : vector<256x128xi32> to vector<1x256x128xi32>
    %reduce_sum3A_38 = arith.constant dense<0> : vector<1xi32>
    %reduce_sum3A_39 = vector.multi_reduction <add>, %reduce_sum3A, %reduce_sum3A_38 [1, 2] : vector<1x256x128xi32> to vector<1xi32>
    %reduce_sum3A_40 = vector.shape_cast %reduce_sum3A_39 : vector<1xi32> to vector<1x1x1xi32>
    %reduce_sum3A_41 = vector.extract %reduce_sum3A_40[0, 0, 0] : i32 from vector<1x1x1xi32>
    %mul3A_42 = arith.constant 3 : i32
    %mul3A_43 = arith.muli %mul3A_42, %reduce_sum3A_41 : i32
    %convert_element_type3A_44 = arith.fptosi %select_n3A : vector<256x128xf32> to vector<256x128xi32>
    %get3A_45 = arith.constant 0 : index
    %get3A_46 = arith.constant 0 : index
    %get3A_47 = arith.constant 0 : index
    %get3A_48 = arith.constant 0 : index
    %get3A_49 = vector.load %arg1[%get3A_45, %get3A_46, %get3A_47, %get3A_48] : memref<1x21x256x128xf32, #tpu.memory_space<vmem>>, vector<1x1x256x128xf32>
    %get3A_50 = vector.shape_cast %get3A_49 : vector<1x1x256x128xf32> to vector<256x128xf32>
    %get3A_51 = arith.constant 0 : index
    %get3A_52 = arith.constant 1 : index
    %get3A_53 = arith.constant 0 : index
    %get3A_54 = arith.constant 0 : index
    %get3A_55 = vector.load %arg1[%get3A_51, %get3A_52, %get3A_53, %get3A_54] : memref<1x21x256x128xf32, #tpu.memory_space<vmem>>, vector<1x1x256x128xf32>
    %get3A_56 = vector.shape_cast %get3A_55 : vector<1x1x256x128xf32> to vector<256x128xf32>
    %max3A = arith.maximumf %get3A_50, %get3A_56 : vector<256x128xf32>
    %get3A_57 = arith.constant 0 : index
    %get3A_58 = arith.constant 2 : index
    %get3A_59 = arith.constant 0 : index
    %get3A_60 = arith.constant 0 : index
    %get3A_61 = vector.load %arg1[%get3A_57, %get3A_58, %get3A_59, %get3A_60] : memref<1x21x256x128xf32, #tpu.memory_space<vmem>>, vector<1x1x256x128xf32>
    %get3A_62 = vector.shape_cast %get3A_61 : vector<1x1x256x128xf32> to vector<256x128xf32>
    %max3A_63 = arith.maximumf %max3A, %get3A_62 : vector<256x128xf32>
    %get3A_64 = arith.constant 0 : index
    %get3A_65 = arith.constant 3 : index
    %get3A_66 = arith.constant 0 : index
    %get3A_67 = arith.constant 0 : index
    %get3A_68 = vector.load %arg1[%get3A_64, %get3A_65, %get3A_66, %get3A_67] : memref<1x21x256x128xf32, #tpu.memory_space<vmem>>, vector<1x1x256x128xf32>
    %get3A_69 = vector.shape_cast %get3A_68 : vector<1x1x256x128xf32> to vector<256x128xf32>
    %max3A_70 = arith.maximumf %max3A_63, %get3A_69 : vector<256x128xf32>
    %get3A_71 = arith.constant 0 : index
    %get3A_72 = arith.constant 4 : index
    %get3A_73 = arith.constant 0 : index
    %get3A_74 = arith.constant 0 : index
    %get3A_75 = vector.load %arg1[%get3A_71, %get3A_72, %get3A_73, %get3A_74] : memref<1x21x256x128xf32, #tpu.memory_space<vmem>>, vector<1x1x256x128xf32>
    %get3A_76 = vector.shape_cast %get3A_75 : vector<1x1x256x128xf32> to vector<256x128xf32>
    %max3A_77 = arith.maximumf %max3A_70, %get3A_76 : vector<256x128xf32>
    %get3A_78 = arith.constant 0 : index
    %get3A_79 = arith.constant 5 : index
    %get3A_80 = arith.constant 0 : index
    %get3A_81 = arith.constant 0 : index
    %get3A_82 = vector.load %arg1[%get3A_78, %get3A_79, %get3A_80, %get3A_81] : memref<1x21x256x128xf32, #tpu.memory_space<vmem>>, vector<1x1x256x128xf32>
    %get3A_83 = vector.shape_cast %get3A_82 : vector<1x1x256x128xf32> to vector<256x128xf32>
    %max3A_84 = arith.maximumf %max3A_77, %get3A_83 : vector<256x128xf32>
    %get3A_85 = arith.constant 0 : index
    %get3A_86 = arith.constant 6 : index
    %get3A_87 = arith.constant 0 : index
    %get3A_88 = arith.constant 0 : index
    %get3A_89 = vector.load %arg1[%get3A_85, %get3A_86, %get3A_87, %get3A_88] : memref<1x21x256x128xf32, #tpu.memory_space<vmem>>, vector<1x1x256x128xf32>
    %get3A_90 = vector.shape_cast %get3A_89 : vector<1x1x256x128xf32> to vector<256x128xf32>
    %max3A_91 = arith.maximumf %max3A_84, %get3A_90 : vector<256x128xf32>
    %get3A_92 = arith.constant 0 : index
    %get3A_93 = arith.constant 7 : index
    %get3A_94 = arith.constant 0 : index
    %get3A_95 = arith.constant 0 : index
    %get3A_96 = vector.load %arg1[%get3A_92, %get3A_93, %get3A_94, %get3A_95] : memref<1x21x256x128xf32, #tpu.memory_space<vmem>>, vector<1x1x256x128xf32>
    %get3A_97 = vector.shape_cast %get3A_96 : vector<1x1x256x128xf32> to vector<256x128xf32>
    %max3A_98 = arith.maximumf %max3A_91, %get3A_97 : vector<256x128xf32>
    %get3A_99 = arith.constant 0 : index
    %get3A_100 = arith.constant 8 : index
    %get3A_101 = arith.constant 0 : index
    %get3A_102 = arith.constant 0 : index
    %get3A_103 = vector.load %arg1[%get3A_99, %get3A_100, %get3A_101, %get3A_102] : memref<1x21x256x128xf32, #tpu.memory_space<vmem>>, vector<1x1x256x128xf32>
    %get3A_104 = vector.shape_cast %get3A_103 : vector<1x1x256x128xf32> to vector<256x128xf32>
    %max3A_105 = arith.maximumf %max3A_98, %get3A_104 : vector<256x128xf32>
    %get3A_106 = arith.constant 0 : index
    %get3A_107 = arith.constant 9 : index
    %get3A_108 = arith.constant 0 : index
    %get3A_109 = arith.constant 0 : index
    %get3A_110 = vector.load %arg1[%get3A_106, %get3A_107, %get3A_108, %get3A_109] : memref<1x21x256x128xf32, #tpu.memory_space<vmem>>, vector<1x1x256x128xf32>
    %get3A_111 = vector.shape_cast %get3A_110 : vector<1x1x256x128xf32> to vector<256x128xf32>
    %max3A_112 = arith.maximumf %max3A_105, %get3A_111 : vector<256x128xf32>
    %get3A_113 = arith.constant 0 : index
    %get3A_114 = arith.constant 10 : index
    %get3A_115 = arith.constant 0 : index
    %get3A_116 = arith.constant 0 : index
    %get3A_117 = vector.load %arg1[%get3A_113, %get3A_114, %get3A_115, %get3A_116] : memref<1x21x256x128xf32, #tpu.memory_space<vmem>>, vector<1x1x256x128xf32>
    %get3A_118 = vector.shape_cast %get3A_117 : vector<1x1x256x128xf32> to vector<256x128xf32>
    %max3A_119 = arith.maximumf %max3A_112, %get3A_118 : vector<256x128xf32>
    %get3A_120 = arith.constant 0 : index
    %get3A_121 = arith.constant 11 : index
    %get3A_122 = arith.constant 0 : index
    %get3A_123 = arith.constant 0 : index
    %get3A_124 = vector.load %arg1[%get3A_120, %get3A_121, %get3A_122, %get3A_123] : memref<1x21x256x128xf32, #tpu.memory_space<vmem>>, vector<1x1x256x128xf32>
    %get3A_125 = vector.shape_cast %get3A_124 : vector<1x1x256x128xf32> to vector<256x128xf32>
    %max3A_126 = arith.maximumf %max3A_119, %get3A_125 : vector<256x128xf32>
    %get3A_127 = arith.constant 0 : index
    %get3A_128 = arith.constant 12 : index
    %get3A_129 = arith.constant 0 : index
    %get3A_130 = arith.constant 0 : index
    %get3A_131 = vector.load %arg1[%get3A_127, %get3A_128, %get3A_129, %get3A_130] : memref<1x21x256x128xf32, #tpu.memory_space<vmem>>, vector<1x1x256x128xf32>
    %get3A_132 = vector.shape_cast %get3A_131 : vector<1x1x256x128xf32> to vector<256x128xf32>
    %max3A_133 = arith.maximumf %max3A_126, %get3A_132 : vector<256x128xf32>
    %get3A_134 = arith.constant 0 : index
    %get3A_135 = arith.constant 13 : index
    %get3A_136 = arith.constant 0 : index
    %get3A_137 = arith.constant 0 : index
    %get3A_138 = vector.load %arg1[%get3A_134, %get3A_135, %get3A_136, %get3A_137] : memref<1x21x256x128xf32, #tpu.memory_space<vmem>>, vector<1x1x256x128xf32>
    %get3A_139 = vector.shape_cast %get3A_138 : vector<1x1x256x128xf32> to vector<256x128xf32>
    %max3A_140 = arith.maximumf %max3A_133, %get3A_139 : vector<256x128xf32>
    %get3A_141 = arith.constant 0 : index
    %get3A_142 = arith.constant 14 : index
    %get3A_143 = arith.constant 0 : index
    %get3A_144 = arith.constant 0 : index
    %get3A_145 = vector.load %arg1[%get3A_141, %get3A_142, %get3A_143, %get3A_144] : memref<1x21x256x128xf32, #tpu.memory_space<vmem>>, vector<1x1x256x128xf32>
    %get3A_146 = vector.shape_cast %get3A_145 : vector<1x1x256x128xf32> to vector<256x128xf32>
    %max3A_147 = arith.maximumf %max3A_140, %get3A_146 : vector<256x128xf32>
    %get3A_148 = arith.constant 0 : index
    %get3A_149 = arith.constant 15 : index
    %get3A_150 = arith.constant 0 : index
    %get3A_151 = arith.constant 0 : index
    %get3A_152 = vector.load %arg1[%get3A_148, %get3A_149, %get3A_150, %get3A_151] : memref<1x21x256x128xf32, #tpu.memory_space<vmem>>, vector<1x1x256x128xf32>
    %get3A_153 = vector.shape_cast %get3A_152 : vector<1x1x256x128xf32> to vector<256x128xf32>
    %max3A_154 = arith.maximumf %max3A_147, %get3A_153 : vector<256x128xf32>
    %get3A_155 = arith.constant 0 : index
    %get3A_156 = arith.constant 16 : index
    %get3A_157 = arith.constant 0 : index
    %get3A_158 = arith.constant 0 : index
    %get3A_159 = vector.load %arg1[%get3A_155, %get3A_156, %get3A_157, %get3A_158] : memref<1x21x256x128xf32, #tpu.memory_space<vmem>>, vector<1x1x256x128xf32>
    %get3A_160 = vector.shape_cast %get3A_159 : vector<1x1x256x128xf32> to vector<256x128xf32>
    %max3A_161 = arith.maximumf %max3A_154, %get3A_160 : vector<256x128xf32>
    %get3A_162 = arith.constant 0 : index
    %get3A_163 = arith.constant 17 : index
    %get3A_164 = arith.constant 0 : index
    %get3A_165 = arith.constant 0 : index
    %get3A_166 = vector.load %arg1[%get3A_162, %get3A_163, %get3A_164, %get3A_165] : memref<1x21x256x128xf32, #tpu.memory_space<vmem>>, vector<1x1x256x128xf32>
    %get3A_167 = vector.shape_cast %get3A_166 : vector<1x1x256x128xf32> to vector<256x128xf32>
    %max3A_168 = arith.maximumf %max3A_161, %get3A_167 : vector<256x128xf32>
    %get3A_169 = arith.constant 0 : index
    %get3A_170 = arith.constant 18 : index
    %get3A_171 = arith.constant 0 : index
    %get3A_172 = arith.constant 0 : index
    %get3A_173 = vector.load %arg1[%get3A_169, %get3A_170, %get3A_171, %get3A_172] : memref<1x21x256x128xf32, #tpu.memory_space<vmem>>, vector<1x1x256x128xf32>
    %get3A_174 = vector.shape_cast %get3A_173 : vector<1x1x256x128xf32> to vector<256x128xf32>
    %max3A_175 = arith.maximumf %max3A_168, %get3A_174 : vector<256x128xf32>
    %get3A_176 = arith.constant 0 : index
    %get3A_177 = arith.constant 19 : index
    %get3A_178 = arith.constant 0 : index
    %get3A_179 = arith.constant 0 : index
    %get3A_180 = vector.load %arg1[%get3A_176, %get3A_177, %get3A_178, %get3A_179] : memref<1x21x256x128xf32, #tpu.memory_space<vmem>>, vector<1x1x256x128xf32>
    %get3A_181 = vector.shape_cast %get3A_180 : vector<1x1x256x128xf32> to vector<256x128xf32>
    %max3A_182 = arith.maximumf %max3A_175, %get3A_181 : vector<256x128xf32>
    %get3A_183 = arith.constant 0 : index
    %get3A_184 = arith.constant 20 : index
    %get3A_185 = arith.constant 0 : index
    %get3A_186 = arith.constant 0 : index
    %get3A_187 = vector.load %arg1[%get3A_183, %get3A_184, %get3A_185, %get3A_186] : memref<1x21x256x128xf32, #tpu.memory_space<vmem>>, vector<1x1x256x128xf32>
    %get3A_188 = vector.shape_cast %get3A_187 : vector<1x1x256x128xf32> to vector<256x128xf32>
    %max3A_189 = arith.maximumf %max3A_182, %get3A_188 : vector<256x128xf32>
    %sub3A_190 = arith.subf %get3A_50, %max3A_189 : vector<256x128xf32>
    %exp3A = math.exp %sub3A_190 : vector<256x128xf32>
    %eq3A = arith.constant 0 : i32
    %eq3A_191 = vector.broadcast %eq3A : i32 to vector<256x128xi32>
    %eq3A_192 = arith.cmpi eq, %convert_element_type3A_44, %eq3A_191 : vector<256x128xi32>
    %jit3A_193 = arith.constant 0.000000e+00 : f32
    %broadcast_in_dim3A_194 = vector.broadcast %jit3A_193 : f32 to vector<256x128xf32>
    %select_n3A_195 = arith.select %eq3A_192, %get3A_50, %broadcast_in_dim3A_194 : vector<256x128xi1>, vector<256x128xf32>
    %get3A_196 = arith.constant 0 : index
    %get3A_197 = arith.constant 1 : index
    %get3A_198 = arith.constant 0 : index
    %get3A_199 = arith.constant 0 : index
    %get3A_200 = vector.load %arg1[%get3A_196, %get3A_197, %get3A_198, %get3A_199] : memref<1x21x256x128xf32, #tpu.memory_space<vmem>>, vector<1x1x256x128xf32>
    %get3A_201 = vector.shape_cast %get3A_200 : vector<1x1x256x128xf32> to vector<256x128xf32>
    %sub3A_202 = arith.subf %get3A_201, %max3A_189 : vector<256x128xf32>
    %exp3A_203 = math.exp %sub3A_202 : vector<256x128xf32>
    %add3A_204 = arith.addf %exp3A, %exp3A_203 : vector<256x128xf32>
    %eq3A_205 = arith.constant 1 : i32
    %eq3A_206 = vector.broadcast %eq3A_205 : i32 to vector<256x128xi32>
    %eq3A_207 = arith.cmpi eq, %convert_element_type3A_44, %eq3A_206 : vector<256x128xi32>
    %select_n3A_208 = arith.select %eq3A_207, %get3A_201, %select_n3A_195 : vector<256x128xi1>, vector<256x128xf32>
    %get3A_209 = arith.constant 0 : index
    %get3A_210 = arith.constant 2 : index
    %get3A_211 = arith.constant 0 : index
    %get3A_212 = arith.constant 0 : index
    %get3A_213 = vector.load %arg1[%get3A_209, %get3A_210, %get3A_211, %get3A_212] : memref<1x21x256x128xf32, #tpu.memory_space<vmem>>, vector<1x1x256x128xf32>
    %get3A_214 = vector.shape_cast %get3A_213 : vector<1x1x256x128xf32> to vector<256x128xf32>
    %sub3A_215 = arith.subf %get3A_214, %max3A_189 : vector<256x128xf32>
    %exp3A_216 = math.exp %sub3A_215 : vector<256x128xf32>
    %add3A_217 = arith.addf %add3A_204, %exp3A_216 : vector<256x128xf32>
    %eq3A_218 = arith.constant 2 : i32
    %eq3A_219 = vector.broadcast %eq3A_218 : i32 to vector<256x128xi32>
    %eq3A_220 = arith.cmpi eq, %convert_element_type3A_44, %eq3A_219 : vector<256x128xi32>
    %select_n3A_221 = arith.select %eq3A_220, %get3A_214, %select_n3A_208 : vector<256x128xi1>, vector<256x128xf32>
    %get3A_222 = arith.constant 0 : index
    %get3A_223 = arith.constant 3 : index
    %get3A_224 = arith.constant 0 : index
    %get3A_225 = arith.constant 0 : index
    %get3A_226 = vector.load %arg1[%get3A_222, %get3A_223, %get3A_224, %get3A_225] : memref<1x21x256x128xf32, #tpu.memory_space<vmem>>, vector<1x1x256x128xf32>
    %get3A_227 = vector.shape_cast %get3A_226 : vector<1x1x256x128xf32> to vector<256x128xf32>
    %sub3A_228 = arith.subf %get3A_227, %max3A_189 : vector<256x128xf32>
    %exp3A_229 = math.exp %sub3A_228 : vector<256x128xf32>
    %add3A_230 = arith.addf %add3A_217, %exp3A_229 : vector<256x128xf32>
    %eq3A_231 = arith.constant 3 : i32
    %eq3A_232 = vector.broadcast %eq3A_231 : i32 to vector<256x128xi32>
    %eq3A_233 = arith.cmpi eq, %convert_element_type3A_44, %eq3A_232 : vector<256x128xi32>
    %select_n3A_234 = arith.select %eq3A_233, %get3A_227, %select_n3A_221 : vector<256x128xi1>, vector<256x128xf32>
    %get3A_235 = arith.constant 0 : index
    %get3A_236 = arith.constant 4 : index
    %get3A_237 = arith.constant 0 : index
    %get3A_238 = arith.constant 0 : index
    %get3A_239 = vector.load %arg1[%get3A_235, %get3A_236, %get3A_237, %get3A_238] : memref<1x21x256x128xf32, #tpu.memory_space<vmem>>, vector<1x1x256x128xf32>
    %get3A_240 = vector.shape_cast %get3A_239 : vector<1x1x256x128xf32> to vector<256x128xf32>
    %sub3A_241 = arith.subf %get3A_240, %max3A_189 : vector<256x128xf32>
    %exp3A_242 = math.exp %sub3A_241 : vector<256x128xf32>
    %add3A_243 = arith.addf %add3A_230, %exp3A_242 : vector<256x128xf32>
    %eq3A_244 = arith.constant 4 : i32
    %eq3A_245 = vector.broadcast %eq3A_244 : i32 to vector<256x128xi32>
    %eq3A_246 = arith.cmpi eq, %convert_element_type3A_44, %eq3A_245 : vector<256x128xi32>
    %select_n3A_247 = arith.select %eq3A_246, %get3A_240, %select_n3A_234 : vector<256x128xi1>, vector<256x128xf32>
    %get3A_248 = arith.constant 0 : index
    %get3A_249 = arith.constant 5 : index
    %get3A_250 = arith.constant 0 : index
    %get3A_251 = arith.constant 0 : index
    %get3A_252 = vector.load %arg1[%get3A_248, %get3A_249, %get3A_250, %get3A_251] : memref<1x21x256x128xf32, #tpu.memory_space<vmem>>, vector<1x1x256x128xf32>
    %get3A_253 = vector.shape_cast %get3A_252 : vector<1x1x256x128xf32> to vector<256x128xf32>
    %sub3A_254 = arith.subf %get3A_253, %max3A_189 : vector<256x128xf32>
    %exp3A_255 = math.exp %sub3A_254 : vector<256x128xf32>
    %add3A_256 = arith.addf %add3A_243, %exp3A_255 : vector<256x128xf32>
    %eq3A_257 = arith.constant 5 : i32
    %eq3A_258 = vector.broadcast %eq3A_257 : i32 to vector<256x128xi32>
    %eq3A_259 = arith.cmpi eq, %convert_element_type3A_44, %eq3A_258 : vector<256x128xi32>
    %select_n3A_260 = arith.select %eq3A_259, %get3A_253, %select_n3A_247 : vector<256x128xi1>, vector<256x128xf32>
    %get3A_261 = arith.constant 0 : index
    %get3A_262 = arith.constant 6 : index
    %get3A_263 = arith.constant 0 : index
    %get3A_264 = arith.constant 0 : index
    %get3A_265 = vector.load %arg1[%get3A_261, %get3A_262, %get3A_263, %get3A_264] : memref<1x21x256x128xf32, #tpu.memory_space<vmem>>, vector<1x1x256x128xf32>
    %get3A_266 = vector.shape_cast %get3A_265 : vector<1x1x256x128xf32> to vector<256x128xf32>
    %sub3A_267 = arith.subf %get3A_266, %max3A_189 : vector<256x128xf32>
    %exp3A_268 = math.exp %sub3A_267 : vector<256x128xf32>
    %add3A_269 = arith.addf %add3A_256, %exp3A_268 : vector<256x128xf32>
    %eq3A_270 = arith.constant 6 : i32
    %eq3A_271 = vector.broadcast %eq3A_270 : i32 to vector<256x128xi32>
    %eq3A_272 = arith.cmpi eq, %convert_element_type3A_44, %eq3A_271 : vector<256x128xi32>
    %select_n3A_273 = arith.select %eq3A_272, %get3A_266, %select_n3A_260 : vector<256x128xi1>, vector<256x128xf32>
    %get3A_274 = arith.constant 0 : index
    %get3A_275 = arith.constant 7 : index
    %get3A_276 = arith.constant 0 : index
    %get3A_277 = arith.constant 0 : index
    %get3A_278 = vector.load %arg1[%get3A_274, %get3A_275, %get3A_276, %get3A_277] : memref<1x21x256x128xf32, #tpu.memory_space<vmem>>, vector<1x1x256x128xf32>
    %get3A_279 = vector.shape_cast %get3A_278 : vector<1x1x256x128xf32> to vector<256x128xf32>
    %sub3A_280 = arith.subf %get3A_279, %max3A_189 : vector<256x128xf32>
    %exp3A_281 = math.exp %sub3A_280 : vector<256x128xf32>
    %add3A_282 = arith.addf %add3A_269, %exp3A_281 : vector<256x128xf32>
    %eq3A_283 = arith.constant 7 : i32
    %eq3A_284 = vector.broadcast %eq3A_283 : i32 to vector<256x128xi32>
    %eq3A_285 = arith.cmpi eq, %convert_element_type3A_44, %eq3A_284 : vector<256x128xi32>
    %select_n3A_286 = arith.select %eq3A_285, %get3A_279, %select_n3A_273 : vector<256x128xi1>, vector<256x128xf32>
    %get3A_287 = arith.constant 0 : index
    %get3A_288 = arith.constant 8 : index
    %get3A_289 = arith.constant 0 : index
    %get3A_290 = arith.constant 0 : index
    %get3A_291 = vector.load %arg1[%get3A_287, %get3A_288, %get3A_289, %get3A_290] : memref<1x21x256x128xf32, #tpu.memory_space<vmem>>, vector<1x1x256x128xf32>
    %get3A_292 = vector.shape_cast %get3A_291 : vector<1x1x256x128xf32> to vector<256x128xf32>
    %sub3A_293 = arith.subf %get3A_292, %max3A_189 : vector<256x128xf32>
    %exp3A_294 = math.exp %sub3A_293 : vector<256x128xf32>
    %add3A_295 = arith.addf %add3A_282, %exp3A_294 : vector<256x128xf32>
    %eq3A_296 = arith.constant 8 : i32
    %eq3A_297 = vector.broadcast %eq3A_296 : i32 to vector<256x128xi32>
    %eq3A_298 = arith.cmpi eq, %convert_element_type3A_44, %eq3A_297 : vector<256x128xi32>
    %select_n3A_299 = arith.select %eq3A_298, %get3A_292, %select_n3A_286 : vector<256x128xi1>, vector<256x128xf32>
    %get3A_300 = arith.constant 0 : index
    %get3A_301 = arith.constant 9 : index
    %get3A_302 = arith.constant 0 : index
    %get3A_303 = arith.constant 0 : index
    %get3A_304 = vector.load %arg1[%get3A_300, %get3A_301, %get3A_302, %get3A_303] : memref<1x21x256x128xf32, #tpu.memory_space<vmem>>, vector<1x1x256x128xf32>
    %get3A_305 = vector.shape_cast %get3A_304 : vector<1x1x256x128xf32> to vector<256x128xf32>
    %sub3A_306 = arith.subf %get3A_305, %max3A_189 : vector<256x128xf32>
    %exp3A_307 = math.exp %sub3A_306 : vector<256x128xf32>
    %add3A_308 = arith.addf %add3A_295, %exp3A_307 : vector<256x128xf32>
    %eq3A_309 = arith.constant 9 : i32
    %eq3A_310 = vector.broadcast %eq3A_309 : i32 to vector<256x128xi32>
    %eq3A_311 = arith.cmpi eq, %convert_element_type3A_44, %eq3A_310 : vector<256x128xi32>
    %select_n3A_312 = arith.select %eq3A_311, %get3A_305, %select_n3A_299 : vector<256x128xi1>, vector<256x128xf32>
    %get3A_313 = arith.constant 0 : index
    %get3A_314 = arith.constant 10 : index
    %get3A_315 = arith.constant 0 : index
    %get3A_316 = arith.constant 0 : index
    %get3A_317 = vector.load %arg1[%get3A_313, %get3A_314, %get3A_315, %get3A_316] : memref<1x21x256x128xf32, #tpu.memory_space<vmem>>, vector<1x1x256x128xf32>
    %get3A_318 = vector.shape_cast %get3A_317 : vector<1x1x256x128xf32> to vector<256x128xf32>
    %sub3A_319 = arith.subf %get3A_318, %max3A_189 : vector<256x128xf32>
    %exp3A_320 = math.exp %sub3A_319 : vector<256x128xf32>
    %add3A_321 = arith.addf %add3A_308, %exp3A_320 : vector<256x128xf32>
    %eq3A_322 = arith.constant 10 : i32
    %eq3A_323 = vector.broadcast %eq3A_322 : i32 to vector<256x128xi32>
    %eq3A_324 = arith.cmpi eq, %convert_element_type3A_44, %eq3A_323 : vector<256x128xi32>
    %select_n3A_325 = arith.select %eq3A_324, %get3A_318, %select_n3A_312 : vector<256x128xi1>, vector<256x128xf32>
    %get3A_326 = arith.constant 0 : index
    %get3A_327 = arith.constant 11 : index
    %get3A_328 = arith.constant 0 : index
    %get3A_329 = arith.constant 0 : index
    %get3A_330 = vector.load %arg1[%get3A_326, %get3A_327, %get3A_328, %get3A_329] : memref<1x21x256x128xf32, #tpu.memory_space<vmem>>, vector<1x1x256x128xf32>
    %get3A_331 = vector.shape_cast %get3A_330 : vector<1x1x256x128xf32> to vector<256x128xf32>
    %sub3A_332 = arith.subf %get3A_331, %max3A_189 : vector<256x128xf32>
    %exp3A_333 = math.exp %sub3A_332 : vector<256x128xf32>
    %add3A_334 = arith.addf %add3A_321, %exp3A_333 : vector<256x128xf32>
    %eq3A_335 = arith.constant 11 : i32
    %eq3A_336 = vector.broadcast %eq3A_335 : i32 to vector<256x128xi32>
    %eq3A_337 = arith.cmpi eq, %convert_element_type3A_44, %eq3A_336 : vector<256x128xi32>
    %select_n3A_338 = arith.select %eq3A_337, %get3A_331, %select_n3A_325 : vector<256x128xi1>, vector<256x128xf32>
    %get3A_339 = arith.constant 0 : index
    %get3A_340 = arith.constant 12 : index
    %get3A_341 = arith.constant 0 : index
    %get3A_342 = arith.constant 0 : index
    %get3A_343 = vector.load %arg1[%get3A_339, %get3A_340, %get3A_341, %get3A_342] : memref<1x21x256x128xf32, #tpu.memory_space<vmem>>, vector<1x1x256x128xf32>
    %get3A_344 = vector.shape_cast %get3A_343 : vector<1x1x256x128xf32> to vector<256x128xf32>
    %sub3A_345 = arith.subf %get3A_344, %max3A_189 : vector<256x128xf32>
    %exp3A_346 = math.exp %sub3A_345 : vector<256x128xf32>
    %add3A_347 = arith.addf %add3A_334, %exp3A_346 : vector<256x128xf32>
    %eq3A_348 = arith.constant 12 : i32
    %eq3A_349 = vector.broadcast %eq3A_348 : i32 to vector<256x128xi32>
    %eq3A_350 = arith.cmpi eq, %convert_element_type3A_44, %eq3A_349 : vector<256x128xi32>
    %select_n3A_351 = arith.select %eq3A_350, %get3A_344, %select_n3A_338 : vector<256x128xi1>, vector<256x128xf32>
    %get3A_352 = arith.constant 0 : index
    %get3A_353 = arith.constant 13 : index
    %get3A_354 = arith.constant 0 : index
    %get3A_355 = arith.constant 0 : index
    %get3A_356 = vector.load %arg1[%get3A_352, %get3A_353, %get3A_354, %get3A_355] : memref<1x21x256x128xf32, #tpu.memory_space<vmem>>, vector<1x1x256x128xf32>
    %get3A_357 = vector.shape_cast %get3A_356 : vector<1x1x256x128xf32> to vector<256x128xf32>
    %sub3A_358 = arith.subf %get3A_357, %max3A_189 : vector<256x128xf32>
    %exp3A_359 = math.exp %sub3A_358 : vector<256x128xf32>
    %add3A_360 = arith.addf %add3A_347, %exp3A_359 : vector<256x128xf32>
    %eq3A_361 = arith.constant 13 : i32
    %eq3A_362 = vector.broadcast %eq3A_361 : i32 to vector<256x128xi32>
    %eq3A_363 = arith.cmpi eq, %convert_element_type3A_44, %eq3A_362 : vector<256x128xi32>
    %select_n3A_364 = arith.select %eq3A_363, %get3A_357, %select_n3A_351 : vector<256x128xi1>, vector<256x128xf32>
    %get3A_365 = arith.constant 0 : index
    %get3A_366 = arith.constant 14 : index
    %get3A_367 = arith.constant 0 : index
    %get3A_368 = arith.constant 0 : index
    %get3A_369 = vector.load %arg1[%get3A_365, %get3A_366, %get3A_367, %get3A_368] : memref<1x21x256x128xf32, #tpu.memory_space<vmem>>, vector<1x1x256x128xf32>
    %get3A_370 = vector.shape_cast %get3A_369 : vector<1x1x256x128xf32> to vector<256x128xf32>
    %sub3A_371 = arith.subf %get3A_370, %max3A_189 : vector<256x128xf32>
    %exp3A_372 = math.exp %sub3A_371 : vector<256x128xf32>
    %add3A_373 = arith.addf %add3A_360, %exp3A_372 : vector<256x128xf32>
    %eq3A_374 = arith.constant 14 : i32
    %eq3A_375 = vector.broadcast %eq3A_374 : i32 to vector<256x128xi32>
    %eq3A_376 = arith.cmpi eq, %convert_element_type3A_44, %eq3A_375 : vector<256x128xi32>
    %select_n3A_377 = arith.select %eq3A_376, %get3A_370, %select_n3A_364 : vector<256x128xi1>, vector<256x128xf32>
    %get3A_378 = arith.constant 0 : index
    %get3A_379 = arith.constant 15 : index
    %get3A_380 = arith.constant 0 : index
    %get3A_381 = arith.constant 0 : index
    %get3A_382 = vector.load %arg1[%get3A_378, %get3A_379, %get3A_380, %get3A_381] : memref<1x21x256x128xf32, #tpu.memory_space<vmem>>, vector<1x1x256x128xf32>
    %get3A_383 = vector.shape_cast %get3A_382 : vector<1x1x256x128xf32> to vector<256x128xf32>
    %sub3A_384 = arith.subf %get3A_383, %max3A_189 : vector<256x128xf32>
    %exp3A_385 = math.exp %sub3A_384 : vector<256x128xf32>
    %add3A_386 = arith.addf %add3A_373, %exp3A_385 : vector<256x128xf32>
    %eq3A_387 = arith.constant 15 : i32
    %eq3A_388 = vector.broadcast %eq3A_387 : i32 to vector<256x128xi32>
    %eq3A_389 = arith.cmpi eq, %convert_element_type3A_44, %eq3A_388 : vector<256x128xi32>
    %select_n3A_390 = arith.select %eq3A_389, %get3A_383, %select_n3A_377 : vector<256x128xi1>, vector<256x128xf32>
    %get3A_391 = arith.constant 0 : index
    %get3A_392 = arith.constant 16 : index
    %get3A_393 = arith.constant 0 : index
    %get3A_394 = arith.constant 0 : index
    %get3A_395 = vector.load %arg1[%get3A_391, %get3A_392, %get3A_393, %get3A_394] : memref<1x21x256x128xf32, #tpu.memory_space<vmem>>, vector<1x1x256x128xf32>
    %get3A_396 = vector.shape_cast %get3A_395 : vector<1x1x256x128xf32> to vector<256x128xf32>
    %sub3A_397 = arith.subf %get3A_396, %max3A_189 : vector<256x128xf32>
    %exp3A_398 = math.exp %sub3A_397 : vector<256x128xf32>
    %add3A_399 = arith.addf %add3A_386, %exp3A_398 : vector<256x128xf32>
    %eq3A_400 = arith.constant 16 : i32
    %eq3A_401 = vector.broadcast %eq3A_400 : i32 to vector<256x128xi32>
    %eq3A_402 = arith.cmpi eq, %convert_element_type3A_44, %eq3A_401 : vector<256x128xi32>
    %select_n3A_403 = arith.select %eq3A_402, %get3A_396, %select_n3A_390 : vector<256x128xi1>, vector<256x128xf32>
    %get3A_404 = arith.constant 0 : index
    %get3A_405 = arith.constant 17 : index
    %get3A_406 = arith.constant 0 : index
    %get3A_407 = arith.constant 0 : index
    %get3A_408 = vector.load %arg1[%get3A_404, %get3A_405, %get3A_406, %get3A_407] : memref<1x21x256x128xf32, #tpu.memory_space<vmem>>, vector<1x1x256x128xf32>
    %get3A_409 = vector.shape_cast %get3A_408 : vector<1x1x256x128xf32> to vector<256x128xf32>
    %sub3A_410 = arith.subf %get3A_409, %max3A_189 : vector<256x128xf32>
    %exp3A_411 = math.exp %sub3A_410 : vector<256x128xf32>
    %add3A_412 = arith.addf %add3A_399, %exp3A_411 : vector<256x128xf32>
    %eq3A_413 = arith.constant 17 : i32
    %eq3A_414 = vector.broadcast %eq3A_413 : i32 to vector<256x128xi32>
    %eq3A_415 = arith.cmpi eq, %convert_element_type3A_44, %eq3A_414 : vector<256x128xi32>
    %select_n3A_416 = arith.select %eq3A_415, %get3A_409, %select_n3A_403 : vector<256x128xi1>, vector<256x128xf32>
    %get3A_417 = arith.constant 0 : index
    %get3A_418 = arith.constant 18 : index
    %get3A_419 = arith.constant 0 : index
    %get3A_420 = arith.constant 0 : index
    %get3A_421 = vector.load %arg1[%get3A_417, %get3A_418, %get3A_419, %get3A_420] : memref<1x21x256x128xf32, #tpu.memory_space<vmem>>, vector<1x1x256x128xf32>
    %get3A_422 = vector.shape_cast %get3A_421 : vector<1x1x256x128xf32> to vector<256x128xf32>
    %sub3A_423 = arith.subf %get3A_422, %max3A_189 : vector<256x128xf32>
    %exp3A_424 = math.exp %sub3A_423 : vector<256x128xf32>
    %add3A_425 = arith.addf %add3A_412, %exp3A_424 : vector<256x128xf32>
    %eq3A_426 = arith.constant 18 : i32
    %eq3A_427 = vector.broadcast %eq3A_426 : i32 to vector<256x128xi32>
    %eq3A_428 = arith.cmpi eq, %convert_element_type3A_44, %eq3A_427 : vector<256x128xi32>
    %select_n3A_429 = arith.select %eq3A_428, %get3A_422, %select_n3A_416 : vector<256x128xi1>, vector<256x128xf32>
    %get3A_430 = arith.constant 0 : index
    %get3A_431 = arith.constant 19 : index
    %get3A_432 = arith.constant 0 : index
    %get3A_433 = arith.constant 0 : index
    %get3A_434 = vector.load %arg1[%get3A_430, %get3A_431, %get3A_432, %get3A_433] : memref<1x21x256x128xf32, #tpu.memory_space<vmem>>, vector<1x1x256x128xf32>
    %get3A_435 = vector.shape_cast %get3A_434 : vector<1x1x256x128xf32> to vector<256x128xf32>
    %sub3A_436 = arith.subf %get3A_435, %max3A_189 : vector<256x128xf32>
    %exp3A_437 = math.exp %sub3A_436 : vector<256x128xf32>
    %add3A_438 = arith.addf %add3A_425, %exp3A_437 : vector<256x128xf32>
    %eq3A_439 = arith.constant 19 : i32
    %eq3A_440 = vector.broadcast %eq3A_439 : i32 to vector<256x128xi32>
    %eq3A_441 = arith.cmpi eq, %convert_element_type3A_44, %eq3A_440 : vector<256x128xi32>
    %select_n3A_442 = arith.select %eq3A_441, %get3A_435, %select_n3A_429 : vector<256x128xi1>, vector<256x128xf32>
    %get3A_443 = arith.constant 0 : index
    %get3A_444 = arith.constant 20 : index
    %get3A_445 = arith.constant 0 : index
    %get3A_446 = arith.constant 0 : index
    %get3A_447 = vector.load %arg1[%get3A_443, %get3A_444, %get3A_445, %get3A_446] : memref<1x21x256x128xf32, #tpu.memory_space<vmem>>, vector<1x1x256x128xf32>
    %get3A_448 = vector.shape_cast %get3A_447 : vector<1x1x256x128xf32> to vector<256x128xf32>
    %sub3A_449 = arith.subf %get3A_448, %max3A_189 : vector<256x128xf32>
    %exp3A_450 = math.exp %sub3A_449 : vector<256x128xf32>
    %add3A_451 = arith.addf %add3A_438, %exp3A_450 : vector<256x128xf32>
    %eq3A_452 = arith.constant 20 : i32
    %eq3A_453 = vector.broadcast %eq3A_452 : i32 to vector<256x128xi32>
    %eq3A_454 = arith.cmpi eq, %convert_element_type3A_44, %eq3A_453 : vector<256x128xi32>
    %select_n3A_455 = arith.select %eq3A_454, %get3A_448, %select_n3A_442 : vector<256x128xi1>, vector<256x128xf32>
    %log3A = math.log %add3A_451 : vector<256x128xf32>
    %add3A_456 = arith.addf %max3A_189, %log3A : vector<256x128xf32>
    %sub3A_457 = arith.subf %add3A_456, %select_n3A_455 : vector<256x128xf32>
    %jit3A_458 = arith.constant 0.000000e+00 : f32
    %broadcast_in_dim3A_459 = vector.broadcast %jit3A_458 : f32 to vector<256x128xf32>
    %select_n3A_460 = arith.select %gt3A_37, %sub3A_457, %broadcast_in_dim3A_459 : vector<256x128xi1>, vector<256x128xf32>
    %reduce_sum3A_461 = vector.shape_cast %select_n3A_460 : vector<256x128xf32> to vector<1x256x128xf32>
    %reduce_sum3A_462 = arith.constant dense<0.000000e+00> : vector<1xf32>
    %reduce_sum3A_463 = vector.multi_reduction <add>, %reduce_sum3A_461, %reduce_sum3A_462 [1, 2] : vector<1x256x128xf32> to vector<1xf32>
    %reduce_sum3A_464 = vector.shape_cast %reduce_sum3A_463 : vector<1xf32> to vector<1x1x1xf32>
    %reduce_sum3A_465 = vector.extract %reduce_sum3A_464[0, 0, 0] : f32 from vector<1x1x1xf32>
    %sub3A_466 = arith.subf %add3A_456, %get3A_50 : vector<256x128xf32>
    %jit3A_467 = arith.constant 0.000000e+00 : f32
    %broadcast_in_dim3A_468 = vector.broadcast %jit3A_467 : f32 to vector<256x128xf32>
    %select_n3A_469 = arith.select %gt3A_37, %broadcast_in_dim3A_468, %sub3A_466 : vector<256x128xi1>, vector<256x128xf32>
    %get3A_470 = arith.constant 0 : index
    %get3A_471 = arith.constant 0 : index
    %get3A_472 = arith.constant 0 : index
    %get3A_473 = arith.constant 0 : index
    %get3A_474 = vector.load %arg2[%get3A_470, %get3A_471, %get3A_472, %get3A_473] : memref<1x4x256x128xf32, #tpu.memory_space<vmem>>, vector<1x1x256x128xf32>
    %get3A_475 = vector.shape_cast %get3A_474 : vector<1x1x256x128xf32> to vector<256x128xf32>
    %sub3A_476 = arith.subf %get3A_475, %scan3A_30#2 : vector<256x128xf32>
    %integer_pow3A = arith.mulf %sub3A_476, %sub3A_476 : vector<256x128xf32>
    %get3A_477 = arith.constant 0 : index
    %get3A_478 = arith.constant 1 : index
    %get3A_479 = arith.constant 0 : index
    %get3A_480 = arith.constant 0 : index
    %get3A_481 = vector.load %arg2[%get3A_477, %get3A_478, %get3A_479, %get3A_480] : memref<1x4x256x128xf32, #tpu.memory_space<vmem>>, vector<1x1x256x128xf32>
    %get3A_482 = vector.shape_cast %get3A_481 : vector<1x1x256x128xf32> to vector<256x128xf32>
    %sub3A_483 = arith.subf %get3A_482, %scan3A_30#3 : vector<256x128xf32>
    %integer_pow3A_484 = arith.mulf %sub3A_483, %sub3A_483 : vector<256x128xf32>
    %add3A_485 = arith.addf %integer_pow3A, %integer_pow3A_484 : vector<256x128xf32>
    %get3A_486 = arith.constant 0 : index
    %get3A_487 = arith.constant 2 : index
    %get3A_488 = arith.constant 0 : index
    %get3A_489 = arith.constant 0 : index
    %get3A_490 = vector.load %arg2[%get3A_486, %get3A_487, %get3A_488, %get3A_489] : memref<1x4x256x128xf32, #tpu.memory_space<vmem>>, vector<1x1x256x128xf32>
    %get3A_491 = vector.shape_cast %get3A_490 : vector<1x1x256x128xf32> to vector<256x128xf32>
    %sub3A_492 = arith.subf %get3A_491, %scan3A_30#4 : vector<256x128xf32>
    %integer_pow3A_493 = arith.mulf %sub3A_492, %sub3A_492 : vector<256x128xf32>
    %add3A_494 = arith.addf %add3A_485, %integer_pow3A_493 : vector<256x128xf32>
    %get3A_495 = arith.constant 0 : index
    %get3A_496 = arith.constant 3 : index
    %get3A_497 = arith.constant 0 : index
    %get3A_498 = arith.constant 0 : index
    %get3A_499 = vector.load %arg2[%get3A_495, %get3A_496, %get3A_497, %get3A_498] : memref<1x4x256x128xf32, #tpu.memory_space<vmem>>, vector<1x1x256x128xf32>
    %get3A_500 = vector.shape_cast %get3A_499 : vector<1x1x256x128xf32> to vector<256x128xf32>
    %sub3A_501 = arith.subf %get3A_500, %scan3A_30#5 : vector<256x128xf32>
    %integer_pow3A_502 = arith.mulf %sub3A_501, %sub3A_501 : vector<256x128xf32>
    %add3A_503 = arith.addf %add3A_494, %integer_pow3A_502 : vector<256x128xf32>
    %jit3A_504 = arith.constant 0.000000e+00 : f32
    %broadcast_in_dim3A_505 = vector.broadcast %jit3A_504 : f32 to vector<256x128xf32>
    %select_n3A_506 = arith.select %gt3A_37, %add3A_503, %broadcast_in_dim3A_505 : vector<256x128xi1>, vector<256x128xf32>
    %reduce_sum3A_507 = vector.shape_cast %select_n3A_506 : vector<256x128xf32> to vector<1x256x128xf32>
    %reduce_sum3A_508 = arith.constant dense<0.000000e+00> : vector<1xf32>
    %reduce_sum3A_509 = vector.multi_reduction <add>, %reduce_sum3A_507, %reduce_sum3A_508 [1, 2] : vector<1x256x128xf32> to vector<1xf32>
    %reduce_sum3A_510 = vector.shape_cast %reduce_sum3A_509 : vector<1xf32> to vector<1x1x1xf32>
    %reduce_sum3A_511 = vector.extract %reduce_sum3A_510[0, 0, 0] : f32 from vector<1x1x1xf32>
    %bitcast_convert_type3A = tpu.bitcast %select_n3A_469 : vector<256x128xf32> -> vector<256x128xi32>
    %ge3A = arith.constant 1073741824 : i32
    %ge3A_512 = vector.broadcast %ge3A : i32 to vector<256x128xi32>
    %ge3A_513 = arith.cmpi sge, %bitcast_convert_type3A, %ge3A_512 : vector<256x128xi32>
    %convert_element_type3A_514 = arith.extui %ge3A_513 : vector<256x128xi1> to vector<256x128xi32>
    %reduce_sum3A_515 = vector.shape_cast %convert_element_type3A_514 : vector<256x128xi32> to vector<1x256x128xi32>
    %reduce_sum3A_516 = arith.constant dense<0> : vector<1xi32>
    %reduce_sum3A_517 = vector.multi_reduction <add>, %reduce_sum3A_515, %reduce_sum3A_516 [1, 2] : vector<1x256x128xi32> to vector<1xi32>
    %reduce_sum3A_518 = vector.shape_cast %reduce_sum3A_517 : vector<1xi32> to vector<1x1x1xi32>
    %reduce_sum3A_519 = vector.extract %reduce_sum3A_518[0, 0, 0] : i32 from vector<1x1x1xi32>
    %ge3A_520 = arith.cmpi sge, %reduce_sum3A_519, %mul3A_43 : i32
    %jit3A_521 = arith.constant 1073741824 : i32
    %jit3A_522 = arith.constant 0 : i32
    %select_n3A_523 = arith.select %ge3A_520, %jit3A_521, %jit3A_522 : i32
    %or3A = arith.constant 268435456 : i32
    %or3A_524 = arith.ori %select_n3A_523, %or3A : i32
    %or3A_525 = arith.constant 536870912 : i32
    %or3A_526 = arith.ori %select_n3A_523, %or3A_525 : i32
    %or3A_527 = arith.constant 805306368 : i32
    %or3A_528 = arith.ori %select_n3A_523, %or3A_527 : i32
    %ge3A_529 = vector.broadcast %or3A_524 : i32 to vector<256x128xi32>
    %ge3A_530 = arith.cmpi sge, %bitcast_convert_type3A, %ge3A_529 : vector<256x128xi32>
    %convert_element_type3A_531 = arith.extui %ge3A_530 : vector<256x128xi1> to vector<256x128xi32>
    %reduce_sum3A_532 = vector.shape_cast %convert_element_type3A_531 : vector<256x128xi32> to vector<1x256x128xi32>
    %reduce_sum3A_533 = arith.constant dense<0> : vector<1xi32>
    %reduce_sum3A_534 = vector.multi_reduction <add>, %reduce_sum3A_532, %reduce_sum3A_533 [1, 2] : vector<1x256x128xi32> to vector<1xi32>
    %reduce_sum3A_535 = vector.shape_cast %reduce_sum3A_534 : vector<1xi32> to vector<1x1x1xi32>
    %reduce_sum3A_536 = vector.extract %reduce_sum3A_535[0, 0, 0] : i32 from vector<1x1x1xi32>
    %ge3A_537 = vector.broadcast %or3A_526 : i32 to vector<256x128xi32>
    %ge3A_538 = arith.cmpi sge, %bitcast_convert_type3A, %ge3A_537 : vector<256x128xi32>
    %convert_element_type3A_539 = arith.extui %ge3A_538 : vector<256x128xi1> to vector<256x128xi32>
    %reduce_sum3A_540 = vector.shape_cast %convert_element_type3A_539 : vector<256x128xi32> to vector<1x256x128xi32>
    %reduce_sum3A_541 = arith.constant dense<0> : vector<1xi32>
    %reduce_sum3A_542 = vector.multi_reduction <add>, %reduce_sum3A_540, %reduce_sum3A_541 [1, 2] : vector<1x256x128xi32> to vector<1xi32>
    %reduce_sum3A_543 = vector.shape_cast %reduce_sum3A_542 : vector<1xi32> to vector<1x1x1xi32>
    %reduce_sum3A_544 = vector.extract %reduce_sum3A_543[0, 0, 0] : i32 from vector<1x1x1xi32>
    %ge3A_545 = vector.broadcast %or3A_528 : i32 to vector<256x128xi32>
    %ge3A_546 = arith.cmpi sge, %bitcast_convert_type3A, %ge3A_545 : vector<256x128xi32>
    %convert_element_type3A_547 = arith.extui %ge3A_546 : vector<256x128xi1> to vector<256x128xi32>
    %reduce_sum3A_548 = vector.shape_cast %convert_element_type3A_547 : vector<256x128xi32> to vector<1x256x128xi32>
    %reduce_sum3A_549 = arith.constant dense<0> : vector<1xi32>
    %reduce_sum3A_550 = vector.multi_reduction <add>, %reduce_sum3A_548, %reduce_sum3A_549 [1, 2] : vector<1x256x128xi32> to vector<1xi32>
    %reduce_sum3A_551 = vector.shape_cast %reduce_sum3A_550 : vector<1xi32> to vector<1x1x1xi32>
    %reduce_sum3A_552 = vector.extract %reduce_sum3A_551[0, 0, 0] : i32 from vector<1x1x1xi32>
    %ge3A_553 = arith.cmpi sge, %reduce_sum3A_552, %mul3A_43 : i32
    %ge3A_554 = arith.cmpi sge, %reduce_sum3A_544, %mul3A_43 : i32
    %ge3A_555 = arith.cmpi sge, %reduce_sum3A_536, %mul3A_43 : i32
    %select_n3A_556 = arith.select %ge3A_555, %or3A_524, %select_n3A_523 : i32
    %select_n3A_557 = arith.select %ge3A_554, %or3A_526, %select_n3A_556 : i32
    %select_n3A_558 = arith.select %ge3A_553, %or3A_528, %select_n3A_557 : i32
    %or3A_559 = arith.constant 67108864 : i32
    %or3A_560 = arith.ori %select_n3A_558, %or3A_559 : i32
    %or3A_561 = arith.constant 134217728 : i32
    %or3A_562 = arith.ori %select_n3A_558, %or3A_561 : i32
    %or3A_563 = arith.constant 201326592 : i32
    %or3A_564 = arith.ori %select_n3A_558, %or3A_563 : i32
    %ge3A_565 = vector.broadcast %or3A_560 : i32 to vector<256x128xi32>
    %ge3A_566 = arith.cmpi sge, %bitcast_convert_type3A, %ge3A_565 : vector<256x128xi32>
    %convert_element_type3A_567 = arith.extui %ge3A_566 : vector<256x128xi1> to vector<256x128xi32>
    %reduce_sum3A_568 = vector.shape_cast %convert_element_type3A_567 : vector<256x128xi32> to vector<1x256x128xi32>
    %reduce_sum3A_569 = arith.constant dense<0> : vector<1xi32>
    %reduce_sum3A_570 = vector.multi_reduction <add>, %reduce_sum3A_568, %reduce_sum3A_569 [1, 2] : vector<1x256x128xi32> to vector<1xi32>
    %reduce_sum3A_571 = vector.shape_cast %reduce_sum3A_570 : vector<1xi32> to vector<1x1x1xi32>
    %reduce_sum3A_572 = vector.extract %reduce_sum3A_571[0, 0, 0] : i32 from vector<1x1x1xi32>
    %ge3A_573 = vector.broadcast %or3A_562 : i32 to vector<256x128xi32>
    %ge3A_574 = arith.cmpi sge, %bitcast_convert_type3A, %ge3A_573 : vector<256x128xi32>
    %convert_element_type3A_575 = arith.extui %ge3A_574 : vector<256x128xi1> to vector<256x128xi32>
    %reduce_sum3A_576 = vector.shape_cast %convert_element_type3A_575 : vector<256x128xi32> to vector<1x256x128xi32>
    %reduce_sum3A_577 = arith.constant dense<0> : vector<1xi32>
    %reduce_sum3A_578 = vector.multi_reduction <add>, %reduce_sum3A_576, %reduce_sum3A_577 [1, 2] : vector<1x256x128xi32> to vector<1xi32>
    %reduce_sum3A_579 = vector.shape_cast %reduce_sum3A_578 : vector<1xi32> to vector<1x1x1xi32>
    %reduce_sum3A_580 = vector.extract %reduce_sum3A_579[0, 0, 0] : i32 from vector<1x1x1xi32>
    %ge3A_581 = vector.broadcast %or3A_564 : i32 to vector<256x128xi32>
    %ge3A_582 = arith.cmpi sge, %bitcast_convert_type3A, %ge3A_581 : vector<256x128xi32>
    %convert_element_type3A_583 = arith.extui %ge3A_582 : vector<256x128xi1> to vector<256x128xi32>
    %reduce_sum3A_584 = vector.shape_cast %convert_element_type3A_583 : vector<256x128xi32> to vector<1x256x128xi32>
    %reduce_sum3A_585 = arith.constant dense<0> : vector<1xi32>
    %reduce_sum3A_586 = vector.multi_reduction <add>, %reduce_sum3A_584, %reduce_sum3A_585 [1, 2] : vector<1x256x128xi32> to vector<1xi32>
    %reduce_sum3A_587 = vector.shape_cast %reduce_sum3A_586 : vector<1xi32> to vector<1x1x1xi32>
    %reduce_sum3A_588 = vector.extract %reduce_sum3A_587[0, 0, 0] : i32 from vector<1x1x1xi32>
    %ge3A_589 = arith.cmpi sge, %reduce_sum3A_588, %mul3A_43 : i32
    %ge3A_590 = arith.cmpi sge, %reduce_sum3A_580, %mul3A_43 : i32
    %ge3A_591 = arith.cmpi sge, %reduce_sum3A_572, %mul3A_43 : i32
    %select_n3A_592 = arith.select %ge3A_591, %or3A_560, %select_n3A_558 : i32
    %select_n3A_593 = arith.select %ge3A_590, %or3A_562, %select_n3A_592 : i32
    %select_n3A_594 = arith.select %ge3A_589, %or3A_564, %select_n3A_593 : i32
    %or3A_595 = arith.constant 16777216 : i32
    %or3A_596 = arith.ori %select_n3A_594, %or3A_595 : i32
    %or3A_597 = arith.constant 33554432 : i32
    %or3A_598 = arith.ori %select_n3A_594, %or3A_597 : i32
    %or3A_599 = arith.constant 50331648 : i32
    %or3A_600 = arith.ori %select_n3A_594, %or3A_599 : i32
    %ge3A_601 = vector.broadcast %or3A_596 : i32 to vector<256x128xi32>
    %ge3A_602 = arith.cmpi sge, %bitcast_convert_type3A, %ge3A_601 : vector<256x128xi32>
    %convert_element_type3A_603 = arith.extui %ge3A_602 : vector<256x128xi1> to vector<256x128xi32>
    %reduce_sum3A_604 = vector.shape_cast %convert_element_type3A_603 : vector<256x128xi32> to vector<1x256x128xi32>
    %reduce_sum3A_605 = arith.constant dense<0> : vector<1xi32>
    %reduce_sum3A_606 = vector.multi_reduction <add>, %reduce_sum3A_604, %reduce_sum3A_605 [1, 2] : vector<1x256x128xi32> to vector<1xi32>
    %reduce_sum3A_607 = vector.shape_cast %reduce_sum3A_606 : vector<1xi32> to vector<1x1x1xi32>
    %reduce_sum3A_608 = vector.extract %reduce_sum3A_607[0, 0, 0] : i32 from vector<1x1x1xi32>
    %ge3A_609 = vector.broadcast %or3A_598 : i32 to vector<256x128xi32>
    %ge3A_610 = arith.cmpi sge, %bitcast_convert_type3A, %ge3A_609 : vector<256x128xi32>
    %convert_element_type3A_611 = arith.extui %ge3A_610 : vector<256x128xi1> to vector<256x128xi32>
    %reduce_sum3A_612 = vector.shape_cast %convert_element_type3A_611 : vector<256x128xi32> to vector<1x256x128xi32>
    %reduce_sum3A_613 = arith.constant dense<0> : vector<1xi32>
    %reduce_sum3A_614 = vector.multi_reduction <add>, %reduce_sum3A_612, %reduce_sum3A_613 [1, 2] : vector<1x256x128xi32> to vector<1xi32>
    %reduce_sum3A_615 = vector.shape_cast %reduce_sum3A_614 : vector<1xi32> to vector<1x1x1xi32>
    %reduce_sum3A_616 = vector.extract %reduce_sum3A_615[0, 0, 0] : i32 from vector<1x1x1xi32>
    %ge3A_617 = vector.broadcast %or3A_600 : i32 to vector<256x128xi32>
    %ge3A_618 = arith.cmpi sge, %bitcast_convert_type3A, %ge3A_617 : vector<256x128xi32>
    %convert_element_type3A_619 = arith.extui %ge3A_618 : vector<256x128xi1> to vector<256x128xi32>
    %reduce_sum3A_620 = vector.shape_cast %convert_element_type3A_619 : vector<256x128xi32> to vector<1x256x128xi32>
    %reduce_sum3A_621 = arith.constant dense<0> : vector<1xi32>
    %reduce_sum3A_622 = vector.multi_reduction <add>, %reduce_sum3A_620, %reduce_sum3A_621 [1, 2] : vector<1x256x128xi32> to vector<1xi32>
    %reduce_sum3A_623 = vector.shape_cast %reduce_sum3A_622 : vector<1xi32> to vector<1x1x1xi32>
    %reduce_sum3A_624 = vector.extract %reduce_sum3A_623[0, 0, 0] : i32 from vector<1x1x1xi32>
    %ge3A_625 = arith.cmpi sge, %reduce_sum3A_624, %mul3A_43 : i32
    %ge3A_626 = arith.cmpi sge, %reduce_sum3A_616, %mul3A_43 : i32
    %ge3A_627 = arith.cmpi sge, %reduce_sum3A_608, %mul3A_43 : i32
    %select_n3A_628 = arith.select %ge3A_627, %or3A_596, %select_n3A_594 : i32
    %select_n3A_629 = arith.select %ge3A_626, %or3A_598, %select_n3A_628 : i32
    %select_n3A_630 = arith.select %ge3A_625, %or3A_600, %select_n3A_629 : i32
    %or3A_631 = arith.constant 4194304 : i32
    %or3A_632 = arith.ori %select_n3A_630, %or3A_631 : i32
    %or3A_633 = arith.constant 8388608 : i32
    %or3A_634 = arith.ori %select_n3A_630, %or3A_633 : i32
    %or3A_635 = arith.constant 12582912 : i32
    %or3A_636 = arith.ori %select_n3A_630, %or3A_635 : i32
    %ge3A_637 = vector.broadcast %or3A_632 : i32 to vector<256x128xi32>
    %ge3A_638 = arith.cmpi sge, %bitcast_convert_type3A, %ge3A_637 : vector<256x128xi32>
    %convert_element_type3A_639 = arith.extui %ge3A_638 : vector<256x128xi1> to vector<256x128xi32>
    %reduce_sum3A_640 = vector.shape_cast %convert_element_type3A_639 : vector<256x128xi32> to vector<1x256x128xi32>
    %reduce_sum3A_641 = arith.constant dense<0> : vector<1xi32>
    %reduce_sum3A_642 = vector.multi_reduction <add>, %reduce_sum3A_640, %reduce_sum3A_641 [1, 2] : vector<1x256x128xi32> to vector<1xi32>
    %reduce_sum3A_643 = vector.shape_cast %reduce_sum3A_642 : vector<1xi32> to vector<1x1x1xi32>
    %reduce_sum3A_644 = vector.extract %reduce_sum3A_643[0, 0, 0] : i32 from vector<1x1x1xi32>
    %ge3A_645 = vector.broadcast %or3A_634 : i32 to vector<256x128xi32>
    %ge3A_646 = arith.cmpi sge, %bitcast_convert_type3A, %ge3A_645 : vector<256x128xi32>
    %convert_element_type3A_647 = arith.extui %ge3A_646 : vector<256x128xi1> to vector<256x128xi32>
    %reduce_sum3A_648 = vector.shape_cast %convert_element_type3A_647 : vector<256x128xi32> to vector<1x256x128xi32>
    %reduce_sum3A_649 = arith.constant dense<0> : vector<1xi32>
    %reduce_sum3A_650 = vector.multi_reduction <add>, %reduce_sum3A_648, %reduce_sum3A_649 [1, 2] : vector<1x256x128xi32> to vector<1xi32>
    %reduce_sum3A_651 = vector.shape_cast %reduce_sum3A_650 : vector<1xi32> to vector<1x1x1xi32>
    %reduce_sum3A_652 = vector.extract %reduce_sum3A_651[0, 0, 0] : i32 from vector<1x1x1xi32>
    %ge3A_653 = vector.broadcast %or3A_636 : i32 to vector<256x128xi32>
    %ge3A_654 = arith.cmpi sge, %bitcast_convert_type3A, %ge3A_653 : vector<256x128xi32>
    %convert_element_type3A_655 = arith.extui %ge3A_654 : vector<256x128xi1> to vector<256x128xi32>
    %reduce_sum3A_656 = vector.shape_cast %convert_element_type3A_655 : vector<256x128xi32> to vector<1x256x128xi32>
    %reduce_sum3A_657 = arith.constant dense<0> : vector<1xi32>
    %reduce_sum3A_658 = vector.multi_reduction <add>, %reduce_sum3A_656, %reduce_sum3A_657 [1, 2] : vector<1x256x128xi32> to vector<1xi32>
    %reduce_sum3A_659 = vector.shape_cast %reduce_sum3A_658 : vector<1xi32> to vector<1x1x1xi32>
    %reduce_sum3A_660 = vector.extract %reduce_sum3A_659[0, 0, 0] : i32 from vector<1x1x1xi32>
    %ge3A_661 = arith.cmpi sge, %reduce_sum3A_660, %mul3A_43 : i32
    %ge3A_662 = arith.cmpi sge, %reduce_sum3A_652, %mul3A_43 : i32
    %ge3A_663 = arith.cmpi sge, %reduce_sum3A_644, %mul3A_43 : i32
    %select_n3A_664 = arith.select %ge3A_663, %or3A_632, %select_n3A_630 : i32
    %select_n3A_665 = arith.select %ge3A_662, %or3A_634, %select_n3A_664 : i32
    %select_n3A_666 = arith.select %ge3A_661, %or3A_636, %select_n3A_665 : i32
    %or3A_667 = arith.constant 1048576 : i32
    %or3A_668 = arith.ori %select_n3A_666, %or3A_667 : i32
    %or3A_669 = arith.constant 2097152 : i32
    %or3A_670 = arith.ori %select_n3A_666, %or3A_669 : i32
    %or3A_671 = arith.constant 3145728 : i32
    %or3A_672 = arith.ori %select_n3A_666, %or3A_671 : i32
    %ge3A_673 = vector.broadcast %or3A_668 : i32 to vector<256x128xi32>
    %ge3A_674 = arith.cmpi sge, %bitcast_convert_type3A, %ge3A_673 : vector<256x128xi32>
    %convert_element_type3A_675 = arith.extui %ge3A_674 : vector<256x128xi1> to vector<256x128xi32>
    %reduce_sum3A_676 = vector.shape_cast %convert_element_type3A_675 : vector<256x128xi32> to vector<1x256x128xi32>
    %reduce_sum3A_677 = arith.constant dense<0> : vector<1xi32>
    %reduce_sum3A_678 = vector.multi_reduction <add>, %reduce_sum3A_676, %reduce_sum3A_677 [1, 2] : vector<1x256x128xi32> to vector<1xi32>
    %reduce_sum3A_679 = vector.shape_cast %reduce_sum3A_678 : vector<1xi32> to vector<1x1x1xi32>
    %reduce_sum3A_680 = vector.extract %reduce_sum3A_679[0, 0, 0] : i32 from vector<1x1x1xi32>
    %ge3A_681 = vector.broadcast %or3A_670 : i32 to vector<256x128xi32>
    %ge3A_682 = arith.cmpi sge, %bitcast_convert_type3A, %ge3A_681 : vector<256x128xi32>
    %convert_element_type3A_683 = arith.extui %ge3A_682 : vector<256x128xi1> to vector<256x128xi32>
    %reduce_sum3A_684 = vector.shape_cast %convert_element_type3A_683 : vector<256x128xi32> to vector<1x256x128xi32>
    %reduce_sum3A_685 = arith.constant dense<0> : vector<1xi32>
    %reduce_sum3A_686 = vector.multi_reduction <add>, %reduce_sum3A_684, %reduce_sum3A_685 [1, 2] : vector<1x256x128xi32> to vector<1xi32>
    %reduce_sum3A_687 = vector.shape_cast %reduce_sum3A_686 : vector<1xi32> to vector<1x1x1xi32>
    %reduce_sum3A_688 = vector.extract %reduce_sum3A_687[0, 0, 0] : i32 from vector<1x1x1xi32>
    %ge3A_689 = vector.broadcast %or3A_672 : i32 to vector<256x128xi32>
    %ge3A_690 = arith.cmpi sge, %bitcast_convert_type3A, %ge3A_689 : vector<256x128xi32>
    %convert_element_type3A_691 = arith.extui %ge3A_690 : vector<256x128xi1> to vector<256x128xi32>
    %reduce_sum3A_692 = vector.shape_cast %convert_element_type3A_691 : vector<256x128xi32> to vector<1x256x128xi32>
    %reduce_sum3A_693 = arith.constant dense<0> : vector<1xi32>
    %reduce_sum3A_694 = vector.multi_reduction <add>, %reduce_sum3A_692, %reduce_sum3A_693 [1, 2] : vector<1x256x128xi32> to vector<1xi32>
    %reduce_sum3A_695 = vector.shape_cast %reduce_sum3A_694 : vector<1xi32> to vector<1x1x1xi32>
    %reduce_sum3A_696 = vector.extract %reduce_sum3A_695[0, 0, 0] : i32 from vector<1x1x1xi32>
    %ge3A_697 = arith.cmpi sge, %reduce_sum3A_696, %mul3A_43 : i32
    %ge3A_698 = arith.cmpi sge, %reduce_sum3A_688, %mul3A_43 : i32
    %ge3A_699 = arith.cmpi sge, %reduce_sum3A_680, %mul3A_43 : i32
    %select_n3A_700 = arith.select %ge3A_699, %or3A_668, %select_n3A_666 : i32
    %select_n3A_701 = arith.select %ge3A_698, %or3A_670, %select_n3A_700 : i32
    %select_n3A_702 = arith.select %ge3A_697, %or3A_672, %select_n3A_701 : i32
    %or3A_703 = arith.constant 262144 : i32
    %or3A_704 = arith.ori %select_n3A_702, %or3A_703 : i32
    %or3A_705 = arith.constant 524288 : i32
    %or3A_706 = arith.ori %select_n3A_702, %or3A_705 : i32
    %or3A_707 = arith.constant 786432 : i32
    %or3A_708 = arith.ori %select_n3A_702, %or3A_707 : i32
    %ge3A_709 = vector.broadcast %or3A_704 : i32 to vector<256x128xi32>
    %ge3A_710 = arith.cmpi sge, %bitcast_convert_type3A, %ge3A_709 : vector<256x128xi32>
    %convert_element_type3A_711 = arith.extui %ge3A_710 : vector<256x128xi1> to vector<256x128xi32>
    %reduce_sum3A_712 = vector.shape_cast %convert_element_type3A_711 : vector<256x128xi32> to vector<1x256x128xi32>
    %reduce_sum3A_713 = arith.constant dense<0> : vector<1xi32>
    %reduce_sum3A_714 = vector.multi_reduction <add>, %reduce_sum3A_712, %reduce_sum3A_713 [1, 2] : vector<1x256x128xi32> to vector<1xi32>
    %reduce_sum3A_715 = vector.shape_cast %reduce_sum3A_714 : vector<1xi32> to vector<1x1x1xi32>
    %reduce_sum3A_716 = vector.extract %reduce_sum3A_715[0, 0, 0] : i32 from vector<1x1x1xi32>
    %ge3A_717 = vector.broadcast %or3A_706 : i32 to vector<256x128xi32>
    %ge3A_718 = arith.cmpi sge, %bitcast_convert_type3A, %ge3A_717 : vector<256x128xi32>
    %convert_element_type3A_719 = arith.extui %ge3A_718 : vector<256x128xi1> to vector<256x128xi32>
    %reduce_sum3A_720 = vector.shape_cast %convert_element_type3A_719 : vector<256x128xi32> to vector<1x256x128xi32>
    %reduce_sum3A_721 = arith.constant dense<0> : vector<1xi32>
    %reduce_sum3A_722 = vector.multi_reduction <add>, %reduce_sum3A_720, %reduce_sum3A_721 [1, 2] : vector<1x256x128xi32> to vector<1xi32>
    %reduce_sum3A_723 = vector.shape_cast %reduce_sum3A_722 : vector<1xi32> to vector<1x1x1xi32>
    %reduce_sum3A_724 = vector.extract %reduce_sum3A_723[0, 0, 0] : i32 from vector<1x1x1xi32>
    %ge3A_725 = vector.broadcast %or3A_708 : i32 to vector<256x128xi32>
    %ge3A_726 = arith.cmpi sge, %bitcast_convert_type3A, %ge3A_725 : vector<256x128xi32>
    %convert_element_type3A_727 = arith.extui %ge3A_726 : vector<256x128xi1> to vector<256x128xi32>
    %reduce_sum3A_728 = vector.shape_cast %convert_element_type3A_727 : vector<256x128xi32> to vector<1x256x128xi32>
    %reduce_sum3A_729 = arith.constant dense<0> : vector<1xi32>
    %reduce_sum3A_730 = vector.multi_reduction <add>, %reduce_sum3A_728, %reduce_sum3A_729 [1, 2] : vector<1x256x128xi32> to vector<1xi32>
    %reduce_sum3A_731 = vector.shape_cast %reduce_sum3A_730 : vector<1xi32> to vector<1x1x1xi32>
    %reduce_sum3A_732 = vector.extract %reduce_sum3A_731[0, 0, 0] : i32 from vector<1x1x1xi32>
    %ge3A_733 = arith.cmpi sge, %reduce_sum3A_732, %mul3A_43 : i32
    %ge3A_734 = arith.cmpi sge, %reduce_sum3A_724, %mul3A_43 : i32
    %ge3A_735 = arith.cmpi sge, %reduce_sum3A_716, %mul3A_43 : i32
    %select_n3A_736 = arith.select %ge3A_735, %or3A_704, %select_n3A_702 : i32
    %select_n3A_737 = arith.select %ge3A_734, %or3A_706, %select_n3A_736 : i32
    %select_n3A_738 = arith.select %ge3A_733, %or3A_708, %select_n3A_737 : i32
    %or3A_739 = arith.constant 65536 : i32
    %or3A_740 = arith.ori %select_n3A_738, %or3A_739 : i32
    %or3A_741 = arith.constant 131072 : i32
    %or3A_742 = arith.ori %select_n3A_738, %or3A_741 : i32
    %or3A_743 = arith.constant 196608 : i32
    %or3A_744 = arith.ori %select_n3A_738, %or3A_743 : i32
    %ge3A_745 = vector.broadcast %or3A_740 : i32 to vector<256x128xi32>
    %ge3A_746 = arith.cmpi sge, %bitcast_convert_type3A, %ge3A_745 : vector<256x128xi32>
    %convert_element_type3A_747 = arith.extui %ge3A_746 : vector<256x128xi1> to vector<256x128xi32>
    %reduce_sum3A_748 = vector.shape_cast %convert_element_type3A_747 : vector<256x128xi32> to vector<1x256x128xi32>
    %reduce_sum3A_749 = arith.constant dense<0> : vector<1xi32>
    %reduce_sum3A_750 = vector.multi_reduction <add>, %reduce_sum3A_748, %reduce_sum3A_749 [1, 2] : vector<1x256x128xi32> to vector<1xi32>
    %reduce_sum3A_751 = vector.shape_cast %reduce_sum3A_750 : vector<1xi32> to vector<1x1x1xi32>
    %reduce_sum3A_752 = vector.extract %reduce_sum3A_751[0, 0, 0] : i32 from vector<1x1x1xi32>
    %ge3A_753 = vector.broadcast %or3A_742 : i32 to vector<256x128xi32>
    %ge3A_754 = arith.cmpi sge, %bitcast_convert_type3A, %ge3A_753 : vector<256x128xi32>
    %convert_element_type3A_755 = arith.extui %ge3A_754 : vector<256x128xi1> to vector<256x128xi32>
    %reduce_sum3A_756 = vector.shape_cast %convert_element_type3A_755 : vector<256x128xi32> to vector<1x256x128xi32>
    %reduce_sum3A_757 = arith.constant dense<0> : vector<1xi32>
    %reduce_sum3A_758 = vector.multi_reduction <add>, %reduce_sum3A_756, %reduce_sum3A_757 [1, 2] : vector<1x256x128xi32> to vector<1xi32>
    %reduce_sum3A_759 = vector.shape_cast %reduce_sum3A_758 : vector<1xi32> to vector<1x1x1xi32>
    %reduce_sum3A_760 = vector.extract %reduce_sum3A_759[0, 0, 0] : i32 from vector<1x1x1xi32>
    %ge3A_761 = vector.broadcast %or3A_744 : i32 to vector<256x128xi32>
    %ge3A_762 = arith.cmpi sge, %bitcast_convert_type3A, %ge3A_761 : vector<256x128xi32>
    %convert_element_type3A_763 = arith.extui %ge3A_762 : vector<256x128xi1> to vector<256x128xi32>
    %reduce_sum3A_764 = vector.shape_cast %convert_element_type3A_763 : vector<256x128xi32> to vector<1x256x128xi32>
    %reduce_sum3A_765 = arith.constant dense<0> : vector<1xi32>
    %reduce_sum3A_766 = vector.multi_reduction <add>, %reduce_sum3A_764, %reduce_sum3A_765 [1, 2] : vector<1x256x128xi32> to vector<1xi32>
    %reduce_sum3A_767 = vector.shape_cast %reduce_sum3A_766 : vector<1xi32> to vector<1x1x1xi32>
    %reduce_sum3A_768 = vector.extract %reduce_sum3A_767[0, 0, 0] : i32 from vector<1x1x1xi32>
    %ge3A_769 = arith.cmpi sge, %reduce_sum3A_768, %mul3A_43 : i32
    %ge3A_770 = arith.cmpi sge, %reduce_sum3A_760, %mul3A_43 : i32
    %ge3A_771 = arith.cmpi sge, %reduce_sum3A_752, %mul3A_43 : i32
    %select_n3A_772 = arith.select %ge3A_771, %or3A_740, %select_n3A_738 : i32
    %select_n3A_773 = arith.select %ge3A_770, %or3A_742, %select_n3A_772 : i32
    %select_n3A_774 = arith.select %ge3A_769, %or3A_744, %select_n3A_773 : i32
    %or3A_775 = arith.constant 16384 : i32
    %or3A_776 = arith.ori %select_n3A_774, %or3A_775 : i32
    %or3A_777 = arith.constant 32768 : i32
    %or3A_778 = arith.ori %select_n3A_774, %or3A_777 : i32
    %or3A_779 = arith.constant 49152 : i32
    %or3A_780 = arith.ori %select_n3A_774, %or3A_779 : i32
    %ge3A_781 = vector.broadcast %or3A_776 : i32 to vector<256x128xi32>
    %ge3A_782 = arith.cmpi sge, %bitcast_convert_type3A, %ge3A_781 : vector<256x128xi32>
    %convert_element_type3A_783 = arith.extui %ge3A_782 : vector<256x128xi1> to vector<256x128xi32>
    %reduce_sum3A_784 = vector.shape_cast %convert_element_type3A_783 : vector<256x128xi32> to vector<1x256x128xi32>
    %reduce_sum3A_785 = arith.constant dense<0> : vector<1xi32>
    %reduce_sum3A_786 = vector.multi_reduction <add>, %reduce_sum3A_784, %reduce_sum3A_785 [1, 2] : vector<1x256x128xi32> to vector<1xi32>
    %reduce_sum3A_787 = vector.shape_cast %reduce_sum3A_786 : vector<1xi32> to vector<1x1x1xi32>
    %reduce_sum3A_788 = vector.extract %reduce_sum3A_787[0, 0, 0] : i32 from vector<1x1x1xi32>
    %ge3A_789 = vector.broadcast %or3A_778 : i32 to vector<256x128xi32>
    %ge3A_790 = arith.cmpi sge, %bitcast_convert_type3A, %ge3A_789 : vector<256x128xi32>
    %convert_element_type3A_791 = arith.extui %ge3A_790 : vector<256x128xi1> to vector<256x128xi32>
    %reduce_sum3A_792 = vector.shape_cast %convert_element_type3A_791 : vector<256x128xi32> to vector<1x256x128xi32>
    %reduce_sum3A_793 = arith.constant dense<0> : vector<1xi32>
    %reduce_sum3A_794 = vector.multi_reduction <add>, %reduce_sum3A_792, %reduce_sum3A_793 [1, 2] : vector<1x256x128xi32> to vector<1xi32>
    %reduce_sum3A_795 = vector.shape_cast %reduce_sum3A_794 : vector<1xi32> to vector<1x1x1xi32>
    %reduce_sum3A_796 = vector.extract %reduce_sum3A_795[0, 0, 0] : i32 from vector<1x1x1xi32>
    %ge3A_797 = vector.broadcast %or3A_780 : i32 to vector<256x128xi32>
    %ge3A_798 = arith.cmpi sge, %bitcast_convert_type3A, %ge3A_797 : vector<256x128xi32>
    %convert_element_type3A_799 = arith.extui %ge3A_798 : vector<256x128xi1> to vector<256x128xi32>
    %reduce_sum3A_800 = vector.shape_cast %convert_element_type3A_799 : vector<256x128xi32> to vector<1x256x128xi32>
    %reduce_sum3A_801 = arith.constant dense<0> : vector<1xi32>
    %reduce_sum3A_802 = vector.multi_reduction <add>, %reduce_sum3A_800, %reduce_sum3A_801 [1, 2] : vector<1x256x128xi32> to vector<1xi32>
    %reduce_sum3A_803 = vector.shape_cast %reduce_sum3A_802 : vector<1xi32> to vector<1x1x1xi32>
    %reduce_sum3A_804 = vector.extract %reduce_sum3A_803[0, 0, 0] : i32 from vector<1x1x1xi32>
    %ge3A_805 = arith.cmpi sge, %reduce_sum3A_804, %mul3A_43 : i32
    %ge3A_806 = arith.cmpi sge, %reduce_sum3A_796, %mul3A_43 : i32
    %ge3A_807 = arith.cmpi sge, %reduce_sum3A_788, %mul3A_43 : i32
    %select_n3A_808 = arith.select %ge3A_807, %or3A_776, %select_n3A_774 : i32
    %select_n3A_809 = arith.select %ge3A_806, %or3A_778, %select_n3A_808 : i32
    %select_n3A_810 = arith.select %ge3A_805, %or3A_780, %select_n3A_809 : i32
    %or3A_811 = arith.constant 4096 : i32
    %or3A_812 = arith.ori %select_n3A_810, %or3A_811 : i32
    %or3A_813 = arith.constant 8192 : i32
    %or3A_814 = arith.ori %select_n3A_810, %or3A_813 : i32
    %or3A_815 = arith.constant 12288 : i32
    %or3A_816 = arith.ori %select_n3A_810, %or3A_815 : i32
    %ge3A_817 = vector.broadcast %or3A_812 : i32 to vector<256x128xi32>
    %ge3A_818 = arith.cmpi sge, %bitcast_convert_type3A, %ge3A_817 : vector<256x128xi32>
    %convert_element_type3A_819 = arith.extui %ge3A_818 : vector<256x128xi1> to vector<256x128xi32>
    %reduce_sum3A_820 = vector.shape_cast %convert_element_type3A_819 : vector<256x128xi32> to vector<1x256x128xi32>
    %reduce_sum3A_821 = arith.constant dense<0> : vector<1xi32>
    %reduce_sum3A_822 = vector.multi_reduction <add>, %reduce_sum3A_820, %reduce_sum3A_821 [1, 2] : vector<1x256x128xi32> to vector<1xi32>
    %reduce_sum3A_823 = vector.shape_cast %reduce_sum3A_822 : vector<1xi32> to vector<1x1x1xi32>
    %reduce_sum3A_824 = vector.extract %reduce_sum3A_823[0, 0, 0] : i32 from vector<1x1x1xi32>
    %ge3A_825 = vector.broadcast %or3A_814 : i32 to vector<256x128xi32>
    %ge3A_826 = arith.cmpi sge, %bitcast_convert_type3A, %ge3A_825 : vector<256x128xi32>
    %convert_element_type3A_827 = arith.extui %ge3A_826 : vector<256x128xi1> to vector<256x128xi32>
    %reduce_sum3A_828 = vector.shape_cast %convert_element_type3A_827 : vector<256x128xi32> to vector<1x256x128xi32>
    %reduce_sum3A_829 = arith.constant dense<0> : vector<1xi32>
    %reduce_sum3A_830 = vector.multi_reduction <add>, %reduce_sum3A_828, %reduce_sum3A_829 [1, 2] : vector<1x256x128xi32> to vector<1xi32>
    %reduce_sum3A_831 = vector.shape_cast %reduce_sum3A_830 : vector<1xi32> to vector<1x1x1xi32>
    %reduce_sum3A_832 = vector.extract %reduce_sum3A_831[0, 0, 0] : i32 from vector<1x1x1xi32>
    %ge3A_833 = vector.broadcast %or3A_816 : i32 to vector<256x128xi32>
    %ge3A_834 = arith.cmpi sge, %bitcast_convert_type3A, %ge3A_833 : vector<256x128xi32>
    %convert_element_type3A_835 = arith.extui %ge3A_834 : vector<256x128xi1> to vector<256x128xi32>
    %reduce_sum3A_836 = vector.shape_cast %convert_element_type3A_835 : vector<256x128xi32> to vector<1x256x128xi32>
    %reduce_sum3A_837 = arith.constant dense<0> : vector<1xi32>
    %reduce_sum3A_838 = vector.multi_reduction <add>, %reduce_sum3A_836, %reduce_sum3A_837 [1, 2] : vector<1x256x128xi32> to vector<1xi32>
    %reduce_sum3A_839 = vector.shape_cast %reduce_sum3A_838 : vector<1xi32> to vector<1x1x1xi32>
    %reduce_sum3A_840 = vector.extract %reduce_sum3A_839[0, 0, 0] : i32 from vector<1x1x1xi32>
    %ge3A_841 = arith.cmpi sge, %reduce_sum3A_840, %mul3A_43 : i32
    %ge3A_842 = arith.cmpi sge, %reduce_sum3A_832, %mul3A_43 : i32
    %ge3A_843 = arith.cmpi sge, %reduce_sum3A_824, %mul3A_43 : i32
    %select_n3A_844 = arith.select %ge3A_843, %or3A_812, %select_n3A_810 : i32
    %select_n3A_845 = arith.select %ge3A_842, %or3A_814, %select_n3A_844 : i32
    %select_n3A_846 = arith.select %ge3A_841, %or3A_816, %select_n3A_845 : i32
    %or3A_847 = arith.constant 1024 : i32
    %or3A_848 = arith.ori %select_n3A_846, %or3A_847 : i32
    %or3A_849 = arith.constant 2048 : i32
    %or3A_850 = arith.ori %select_n3A_846, %or3A_849 : i32
    %or3A_851 = arith.constant 3072 : i32
    %or3A_852 = arith.ori %select_n3A_846, %or3A_851 : i32
    %ge3A_853 = vector.broadcast %or3A_848 : i32 to vector<256x128xi32>
    %ge3A_854 = arith.cmpi sge, %bitcast_convert_type3A, %ge3A_853 : vector<256x128xi32>
    %convert_element_type3A_855 = arith.extui %ge3A_854 : vector<256x128xi1> to vector<256x128xi32>
    %reduce_sum3A_856 = vector.shape_cast %convert_element_type3A_855 : vector<256x128xi32> to vector<1x256x128xi32>
    %reduce_sum3A_857 = arith.constant dense<0> : vector<1xi32>
    %reduce_sum3A_858 = vector.multi_reduction <add>, %reduce_sum3A_856, %reduce_sum3A_857 [1, 2] : vector<1x256x128xi32> to vector<1xi32>
    %reduce_sum3A_859 = vector.shape_cast %reduce_sum3A_858 : vector<1xi32> to vector<1x1x1xi32>
    %reduce_sum3A_860 = vector.extract %reduce_sum3A_859[0, 0, 0] : i32 from vector<1x1x1xi32>
    %ge3A_861 = vector.broadcast %or3A_850 : i32 to vector<256x128xi32>
    %ge3A_862 = arith.cmpi sge, %bitcast_convert_type3A, %ge3A_861 : vector<256x128xi32>
    %convert_element_type3A_863 = arith.extui %ge3A_862 : vector<256x128xi1> to vector<256x128xi32>
    %reduce_sum3A_864 = vector.shape_cast %convert_element_type3A_863 : vector<256x128xi32> to vector<1x256x128xi32>
    %reduce_sum3A_865 = arith.constant dense<0> : vector<1xi32>
    %reduce_sum3A_866 = vector.multi_reduction <add>, %reduce_sum3A_864, %reduce_sum3A_865 [1, 2] : vector<1x256x128xi32> to vector<1xi32>
    %reduce_sum3A_867 = vector.shape_cast %reduce_sum3A_866 : vector<1xi32> to vector<1x1x1xi32>
    %reduce_sum3A_868 = vector.extract %reduce_sum3A_867[0, 0, 0] : i32 from vector<1x1x1xi32>
    %ge3A_869 = vector.broadcast %or3A_852 : i32 to vector<256x128xi32>
    %ge3A_870 = arith.cmpi sge, %bitcast_convert_type3A, %ge3A_869 : vector<256x128xi32>
    %convert_element_type3A_871 = arith.extui %ge3A_870 : vector<256x128xi1> to vector<256x128xi32>
    %reduce_sum3A_872 = vector.shape_cast %convert_element_type3A_871 : vector<256x128xi32> to vector<1x256x128xi32>
    %reduce_sum3A_873 = arith.constant dense<0> : vector<1xi32>
    %reduce_sum3A_874 = vector.multi_reduction <add>, %reduce_sum3A_872, %reduce_sum3A_873 [1, 2] : vector<1x256x128xi32> to vector<1xi32>
    %reduce_sum3A_875 = vector.shape_cast %reduce_sum3A_874 : vector<1xi32> to vector<1x1x1xi32>
    %reduce_sum3A_876 = vector.extract %reduce_sum3A_875[0, 0, 0] : i32 from vector<1x1x1xi32>
    %ge3A_877 = arith.cmpi sge, %reduce_sum3A_876, %mul3A_43 : i32
    %ge3A_878 = arith.cmpi sge, %reduce_sum3A_868, %mul3A_43 : i32
    %ge3A_879 = arith.cmpi sge, %reduce_sum3A_860, %mul3A_43 : i32
    %select_n3A_880 = arith.select %ge3A_879, %or3A_848, %select_n3A_846 : i32
    %select_n3A_881 = arith.select %ge3A_878, %or3A_850, %select_n3A_880 : i32
    %select_n3A_882 = arith.select %ge3A_877, %or3A_852, %select_n3A_881 : i32
    %or3A_883 = arith.constant 256 : i32
    %or3A_884 = arith.ori %select_n3A_882, %or3A_883 : i32
    %or3A_885 = arith.constant 512 : i32
    %or3A_886 = arith.ori %select_n3A_882, %or3A_885 : i32
    %or3A_887 = arith.constant 768 : i32
    %or3A_888 = arith.ori %select_n3A_882, %or3A_887 : i32
    %ge3A_889 = vector.broadcast %or3A_884 : i32 to vector<256x128xi32>
    %ge3A_890 = arith.cmpi sge, %bitcast_convert_type3A, %ge3A_889 : vector<256x128xi32>
    %convert_element_type3A_891 = arith.extui %ge3A_890 : vector<256x128xi1> to vector<256x128xi32>
    %reduce_sum3A_892 = vector.shape_cast %convert_element_type3A_891 : vector<256x128xi32> to vector<1x256x128xi32>
    %reduce_sum3A_893 = arith.constant dense<0> : vector<1xi32>
    %reduce_sum3A_894 = vector.multi_reduction <add>, %reduce_sum3A_892, %reduce_sum3A_893 [1, 2] : vector<1x256x128xi32> to vector<1xi32>
    %reduce_sum3A_895 = vector.shape_cast %reduce_sum3A_894 : vector<1xi32> to vector<1x1x1xi32>
    %reduce_sum3A_896 = vector.extract %reduce_sum3A_895[0, 0, 0] : i32 from vector<1x1x1xi32>
    %ge3A_897 = vector.broadcast %or3A_886 : i32 to vector<256x128xi32>
    %ge3A_898 = arith.cmpi sge, %bitcast_convert_type3A, %ge3A_897 : vector<256x128xi32>
    %convert_element_type3A_899 = arith.extui %ge3A_898 : vector<256x128xi1> to vector<256x128xi32>
    %reduce_sum3A_900 = vector.shape_cast %convert_element_type3A_899 : vector<256x128xi32> to vector<1x256x128xi32>
    %reduce_sum3A_901 = arith.constant dense<0> : vector<1xi32>
    %reduce_sum3A_902 = vector.multi_reduction <add>, %reduce_sum3A_900, %reduce_sum3A_901 [1, 2] : vector<1x256x128xi32> to vector<1xi32>
    %reduce_sum3A_903 = vector.shape_cast %reduce_sum3A_902 : vector<1xi32> to vector<1x1x1xi32>
    %reduce_sum3A_904 = vector.extract %reduce_sum3A_903[0, 0, 0] : i32 from vector<1x1x1xi32>
    %ge3A_905 = vector.broadcast %or3A_888 : i32 to vector<256x128xi32>
    %ge3A_906 = arith.cmpi sge, %bitcast_convert_type3A, %ge3A_905 : vector<256x128xi32>
    %convert_element_type3A_907 = arith.extui %ge3A_906 : vector<256x128xi1> to vector<256x128xi32>
    %reduce_sum3A_908 = vector.shape_cast %convert_element_type3A_907 : vector<256x128xi32> to vector<1x256x128xi32>
    %reduce_sum3A_909 = arith.constant dense<0> : vector<1xi32>
    %reduce_sum3A_910 = vector.multi_reduction <add>, %reduce_sum3A_908, %reduce_sum3A_909 [1, 2] : vector<1x256x128xi32> to vector<1xi32>
    %reduce_sum3A_911 = vector.shape_cast %reduce_sum3A_910 : vector<1xi32> to vector<1x1x1xi32>
    %reduce_sum3A_912 = vector.extract %reduce_sum3A_911[0, 0, 0] : i32 from vector<1x1x1xi32>
    %ge3A_913 = arith.cmpi sge, %reduce_sum3A_912, %mul3A_43 : i32
    %ge3A_914 = arith.cmpi sge, %reduce_sum3A_904, %mul3A_43 : i32
    %ge3A_915 = arith.cmpi sge, %reduce_sum3A_896, %mul3A_43 : i32
    %select_n3A_916 = arith.select %ge3A_915, %or3A_884, %select_n3A_882 : i32
    %select_n3A_917 = arith.select %ge3A_914, %or3A_886, %select_n3A_916 : i32
    %select_n3A_918 = arith.select %ge3A_913, %or3A_888, %select_n3A_917 : i32
    %or3A_919 = arith.constant 64 : i32
    %or3A_920 = arith.ori %select_n3A_918, %or3A_919 : i32
    %or3A_921 = arith.constant 128 : i32
    %or3A_922 = arith.ori %select_n3A_918, %or3A_921 : i32
    %or3A_923 = arith.constant 192 : i32
    %or3A_924 = arith.ori %select_n3A_918, %or3A_923 : i32
    %ge3A_925 = vector.broadcast %or3A_920 : i32 to vector<256x128xi32>
    %ge3A_926 = arith.cmpi sge, %bitcast_convert_type3A, %ge3A_925 : vector<256x128xi32>
    %convert_element_type3A_927 = arith.extui %ge3A_926 : vector<256x128xi1> to vector<256x128xi32>
    %reduce_sum3A_928 = vector.shape_cast %convert_element_type3A_927 : vector<256x128xi32> to vector<1x256x128xi32>
    %reduce_sum3A_929 = arith.constant dense<0> : vector<1xi32>
    %reduce_sum3A_930 = vector.multi_reduction <add>, %reduce_sum3A_928, %reduce_sum3A_929 [1, 2] : vector<1x256x128xi32> to vector<1xi32>
    %reduce_sum3A_931 = vector.shape_cast %reduce_sum3A_930 : vector<1xi32> to vector<1x1x1xi32>
    %reduce_sum3A_932 = vector.extract %reduce_sum3A_931[0, 0, 0] : i32 from vector<1x1x1xi32>
    %ge3A_933 = vector.broadcast %or3A_922 : i32 to vector<256x128xi32>
    %ge3A_934 = arith.cmpi sge, %bitcast_convert_type3A, %ge3A_933 : vector<256x128xi32>
    %convert_element_type3A_935 = arith.extui %ge3A_934 : vector<256x128xi1> to vector<256x128xi32>
    %reduce_sum3A_936 = vector.shape_cast %convert_element_type3A_935 : vector<256x128xi32> to vector<1x256x128xi32>
    %reduce_sum3A_937 = arith.constant dense<0> : vector<1xi32>
    %reduce_sum3A_938 = vector.multi_reduction <add>, %reduce_sum3A_936, %reduce_sum3A_937 [1, 2] : vector<1x256x128xi32> to vector<1xi32>
    %reduce_sum3A_939 = vector.shape_cast %reduce_sum3A_938 : vector<1xi32> to vector<1x1x1xi32>
    %reduce_sum3A_940 = vector.extract %reduce_sum3A_939[0, 0, 0] : i32 from vector<1x1x1xi32>
    %ge3A_941 = vector.broadcast %or3A_924 : i32 to vector<256x128xi32>
    %ge3A_942 = arith.cmpi sge, %bitcast_convert_type3A, %ge3A_941 : vector<256x128xi32>
    %convert_element_type3A_943 = arith.extui %ge3A_942 : vector<256x128xi1> to vector<256x128xi32>
    %reduce_sum3A_944 = vector.shape_cast %convert_element_type3A_943 : vector<256x128xi32> to vector<1x256x128xi32>
    %reduce_sum3A_945 = arith.constant dense<0> : vector<1xi32>
    %reduce_sum3A_946 = vector.multi_reduction <add>, %reduce_sum3A_944, %reduce_sum3A_945 [1, 2] : vector<1x256x128xi32> to vector<1xi32>
    %reduce_sum3A_947 = vector.shape_cast %reduce_sum3A_946 : vector<1xi32> to vector<1x1x1xi32>
    %reduce_sum3A_948 = vector.extract %reduce_sum3A_947[0, 0, 0] : i32 from vector<1x1x1xi32>
    %ge3A_949 = arith.cmpi sge, %reduce_sum3A_948, %mul3A_43 : i32
    %ge3A_950 = arith.cmpi sge, %reduce_sum3A_940, %mul3A_43 : i32
    %ge3A_951 = arith.cmpi sge, %reduce_sum3A_932, %mul3A_43 : i32
    %select_n3A_952 = arith.select %ge3A_951, %or3A_920, %select_n3A_918 : i32
    %select_n3A_953 = arith.select %ge3A_950, %or3A_922, %select_n3A_952 : i32
    %select_n3A_954 = arith.select %ge3A_949, %or3A_924, %select_n3A_953 : i32
    %or3A_955 = arith.constant 16 : i32
    %or3A_956 = arith.ori %select_n3A_954, %or3A_955 : i32
    %or3A_957 = arith.constant 32 : i32
    %or3A_958 = arith.ori %select_n3A_954, %or3A_957 : i32
    %or3A_959 = arith.constant 48 : i32
    %or3A_960 = arith.ori %select_n3A_954, %or3A_959 : i32
    %ge3A_961 = vector.broadcast %or3A_956 : i32 to vector<256x128xi32>
    %ge3A_962 = arith.cmpi sge, %bitcast_convert_type3A, %ge3A_961 : vector<256x128xi32>
    %convert_element_type3A_963 = arith.extui %ge3A_962 : vector<256x128xi1> to vector<256x128xi32>
    %reduce_sum3A_964 = vector.shape_cast %convert_element_type3A_963 : vector<256x128xi32> to vector<1x256x128xi32>
    %reduce_sum3A_965 = arith.constant dense<0> : vector<1xi32>
    %reduce_sum3A_966 = vector.multi_reduction <add>, %reduce_sum3A_964, %reduce_sum3A_965 [1, 2] : vector<1x256x128xi32> to vector<1xi32>
    %reduce_sum3A_967 = vector.shape_cast %reduce_sum3A_966 : vector<1xi32> to vector<1x1x1xi32>
    %reduce_sum3A_968 = vector.extract %reduce_sum3A_967[0, 0, 0] : i32 from vector<1x1x1xi32>
    %ge3A_969 = vector.broadcast %or3A_958 : i32 to vector<256x128xi32>
    %ge3A_970 = arith.cmpi sge, %bitcast_convert_type3A, %ge3A_969 : vector<256x128xi32>
    %convert_element_type3A_971 = arith.extui %ge3A_970 : vector<256x128xi1> to vector<256x128xi32>
    %reduce_sum3A_972 = vector.shape_cast %convert_element_type3A_971 : vector<256x128xi32> to vector<1x256x128xi32>
    %reduce_sum3A_973 = arith.constant dense<0> : vector<1xi32>
    %reduce_sum3A_974 = vector.multi_reduction <add>, %reduce_sum3A_972, %reduce_sum3A_973 [1, 2] : vector<1x256x128xi32> to vector<1xi32>
    %reduce_sum3A_975 = vector.shape_cast %reduce_sum3A_974 : vector<1xi32> to vector<1x1x1xi32>
    %reduce_sum3A_976 = vector.extract %reduce_sum3A_975[0, 0, 0] : i32 from vector<1x1x1xi32>
    %ge3A_977 = vector.broadcast %or3A_960 : i32 to vector<256x128xi32>
    %ge3A_978 = arith.cmpi sge, %bitcast_convert_type3A, %ge3A_977 : vector<256x128xi32>
    %convert_element_type3A_979 = arith.extui %ge3A_978 : vector<256x128xi1> to vector<256x128xi32>
    %reduce_sum3A_980 = vector.shape_cast %convert_element_type3A_979 : vector<256x128xi32> to vector<1x256x128xi32>
    %reduce_sum3A_981 = arith.constant dense<0> : vector<1xi32>
    %reduce_sum3A_982 = vector.multi_reduction <add>, %reduce_sum3A_980, %reduce_sum3A_981 [1, 2] : vector<1x256x128xi32> to vector<1xi32>
    %reduce_sum3A_983 = vector.shape_cast %reduce_sum3A_982 : vector<1xi32> to vector<1x1x1xi32>
    %reduce_sum3A_984 = vector.extract %reduce_sum3A_983[0, 0, 0] : i32 from vector<1x1x1xi32>
    %ge3A_985 = arith.cmpi sge, %reduce_sum3A_984, %mul3A_43 : i32
    %ge3A_986 = arith.cmpi sge, %reduce_sum3A_976, %mul3A_43 : i32
    %ge3A_987 = arith.cmpi sge, %reduce_sum3A_968, %mul3A_43 : i32
    %select_n3A_988 = arith.select %ge3A_987, %or3A_956, %select_n3A_954 : i32
    %select_n3A_989 = arith.select %ge3A_986, %or3A_958, %select_n3A_988 : i32
    %select_n3A_990 = arith.select %ge3A_985, %or3A_960, %select_n3A_989 : i32
    %or3A_991 = arith.constant 4 : i32
    %or3A_992 = arith.ori %select_n3A_990, %or3A_991 : i32
    %or3A_993 = arith.constant 8 : i32
    %or3A_994 = arith.ori %select_n3A_990, %or3A_993 : i32
    %or3A_995 = arith.constant 12 : i32
    %or3A_996 = arith.ori %select_n3A_990, %or3A_995 : i32
    %ge3A_997 = vector.broadcast %or3A_992 : i32 to vector<256x128xi32>
    %ge3A_998 = arith.cmpi sge, %bitcast_convert_type3A, %ge3A_997 : vector<256x128xi32>
    %convert_element_type3A_999 = arith.extui %ge3A_998 : vector<256x128xi1> to vector<256x128xi32>
    %reduce_sum3A_1000 = vector.shape_cast %convert_element_type3A_999 : vector<256x128xi32> to vector<1x256x128xi32>
    %reduce_sum3A_1001 = arith.constant dense<0> : vector<1xi32>
    %reduce_sum3A_1002 = vector.multi_reduction <add>, %reduce_sum3A_1000, %reduce_sum3A_1001 [1, 2] : vector<1x256x128xi32> to vector<1xi32>
    %reduce_sum3A_1003 = vector.shape_cast %reduce_sum3A_1002 : vector<1xi32> to vector<1x1x1xi32>
    %reduce_sum3A_1004 = vector.extract %reduce_sum3A_1003[0, 0, 0] : i32 from vector<1x1x1xi32>
    %ge3A_1005 = vector.broadcast %or3A_994 : i32 to vector<256x128xi32>
    %ge3A_1006 = arith.cmpi sge, %bitcast_convert_type3A, %ge3A_1005 : vector<256x128xi32>
    %convert_element_type3A_1007 = arith.extui %ge3A_1006 : vector<256x128xi1> to vector<256x128xi32>
    %reduce_sum3A_1008 = vector.shape_cast %convert_element_type3A_1007 : vector<256x128xi32> to vector<1x256x128xi32>
    %reduce_sum3A_1009 = arith.constant dense<0> : vector<1xi32>
    %reduce_sum3A_1010 = vector.multi_reduction <add>, %reduce_sum3A_1008, %reduce_sum3A_1009 [1, 2] : vector<1x256x128xi32> to vector<1xi32>
    %reduce_sum3A_1011 = vector.shape_cast %reduce_sum3A_1010 : vector<1xi32> to vector<1x1x1xi32>
    %reduce_sum3A_1012 = vector.extract %reduce_sum3A_1011[0, 0, 0] : i32 from vector<1x1x1xi32>
    %ge3A_1013 = vector.broadcast %or3A_996 : i32 to vector<256x128xi32>
    %ge3A_1014 = arith.cmpi sge, %bitcast_convert_type3A, %ge3A_1013 : vector<256x128xi32>
    %convert_element_type3A_1015 = arith.extui %ge3A_1014 : vector<256x128xi1> to vector<256x128xi32>
    %reduce_sum3A_1016 = vector.shape_cast %convert_element_type3A_1015 : vector<256x128xi32> to vector<1x256x128xi32>
    %reduce_sum3A_1017 = arith.constant dense<0> : vector<1xi32>
    %reduce_sum3A_1018 = vector.multi_reduction <add>, %reduce_sum3A_1016, %reduce_sum3A_1017 [1, 2] : vector<1x256x128xi32> to vector<1xi32>
    %reduce_sum3A_1019 = vector.shape_cast %reduce_sum3A_1018 : vector<1xi32> to vector<1x1x1xi32>
    %reduce_sum3A_1020 = vector.extract %reduce_sum3A_1019[0, 0, 0] : i32 from vector<1x1x1xi32>
    %ge3A_1021 = arith.cmpi sge, %reduce_sum3A_1020, %mul3A_43 : i32
    %ge3A_1022 = arith.cmpi sge, %reduce_sum3A_1012, %mul3A_43 : i32
    %ge3A_1023 = arith.cmpi sge, %reduce_sum3A_1004, %mul3A_43 : i32
    %select_n3A_1024 = arith.select %ge3A_1023, %or3A_992, %select_n3A_990 : i32
    %select_n3A_1025 = arith.select %ge3A_1022, %or3A_994, %select_n3A_1024 : i32
    %select_n3A_1026 = arith.select %ge3A_1021, %or3A_996, %select_n3A_1025 : i32
    %or3A_1027 = arith.constant 1 : i32
    %or3A_1028 = arith.ori %select_n3A_1026, %or3A_1027 : i32
    %or3A_1029 = arith.constant 2 : i32
    %or3A_1030 = arith.ori %select_n3A_1026, %or3A_1029 : i32
    %or3A_1031 = arith.constant 3 : i32
    %or3A_1032 = arith.ori %select_n3A_1026, %or3A_1031 : i32
    %ge3A_1033 = vector.broadcast %or3A_1028 : i32 to vector<256x128xi32>
    %ge3A_1034 = arith.cmpi sge, %bitcast_convert_type3A, %ge3A_1033 : vector<256x128xi32>
    %convert_element_type3A_1035 = arith.extui %ge3A_1034 : vector<256x128xi1> to vector<256x128xi32>
    %reduce_sum3A_1036 = vector.shape_cast %convert_element_type3A_1035 : vector<256x128xi32> to vector<1x256x128xi32>
    %reduce_sum3A_1037 = arith.constant dense<0> : vector<1xi32>
    %reduce_sum3A_1038 = vector.multi_reduction <add>, %reduce_sum3A_1036, %reduce_sum3A_1037 [1, 2] : vector<1x256x128xi32> to vector<1xi32>
    %reduce_sum3A_1039 = vector.shape_cast %reduce_sum3A_1038 : vector<1xi32> to vector<1x1x1xi32>
    %reduce_sum3A_1040 = vector.extract %reduce_sum3A_1039[0, 0, 0] : i32 from vector<1x1x1xi32>
    %ge3A_1041 = vector.broadcast %or3A_1030 : i32 to vector<256x128xi32>
    %ge3A_1042 = arith.cmpi sge, %bitcast_convert_type3A, %ge3A_1041 : vector<256x128xi32>
    %convert_element_type3A_1043 = arith.extui %ge3A_1042 : vector<256x128xi1> to vector<256x128xi32>
    %reduce_sum3A_1044 = vector.shape_cast %convert_element_type3A_1043 : vector<256x128xi32> to vector<1x256x128xi32>
    %reduce_sum3A_1045 = arith.constant dense<0> : vector<1xi32>
    %reduce_sum3A_1046 = vector.multi_reduction <add>, %reduce_sum3A_1044, %reduce_sum3A_1045 [1, 2] : vector<1x256x128xi32> to vector<1xi32>
    %reduce_sum3A_1047 = vector.shape_cast %reduce_sum3A_1046 : vector<1xi32> to vector<1x1x1xi32>
    %reduce_sum3A_1048 = vector.extract %reduce_sum3A_1047[0, 0, 0] : i32 from vector<1x1x1xi32>
    %ge3A_1049 = vector.broadcast %or3A_1032 : i32 to vector<256x128xi32>
    %ge3A_1050 = arith.cmpi sge, %bitcast_convert_type3A, %ge3A_1049 : vector<256x128xi32>
    %convert_element_type3A_1051 = arith.extui %ge3A_1050 : vector<256x128xi1> to vector<256x128xi32>
    %reduce_sum3A_1052 = vector.shape_cast %convert_element_type3A_1051 : vector<256x128xi32> to vector<1x256x128xi32>
    %reduce_sum3A_1053 = arith.constant dense<0> : vector<1xi32>
    %reduce_sum3A_1054 = vector.multi_reduction <add>, %reduce_sum3A_1052, %reduce_sum3A_1053 [1, 2] : vector<1x256x128xi32> to vector<1xi32>
    %reduce_sum3A_1055 = vector.shape_cast %reduce_sum3A_1054 : vector<1xi32> to vector<1x1x1xi32>
    %reduce_sum3A_1056 = vector.extract %reduce_sum3A_1055[0, 0, 0] : i32 from vector<1x1x1xi32>
    %ge3A_1057 = arith.cmpi sge, %reduce_sum3A_1056, %mul3A_43 : i32
    %ge3A_1058 = arith.cmpi sge, %reduce_sum3A_1048, %mul3A_43 : i32
    %ge3A_1059 = arith.cmpi sge, %reduce_sum3A_1040, %mul3A_43 : i32
    %select_n3A_1060 = arith.select %ge3A_1059, %or3A_1028, %select_n3A_1026 : i32
    %select_n3A_1061 = arith.select %ge3A_1058, %or3A_1030, %select_n3A_1060 : i32
    %select_n3A_1062 = arith.select %ge3A_1057, %or3A_1032, %select_n3A_1061 : i32
    %gt3A_1063 = vector.broadcast %select_n3A_1062 : i32 to vector<256x128xi32>
    %gt3A_1064 = arith.cmpi sgt, %bitcast_convert_type3A, %gt3A_1063 : vector<256x128xi32>
    %convert_element_type3A_1065 = arith.extui %gt3A_1064 : vector<256x128xi1> to vector<256x128xi32>
    %reduce_sum3A_1066 = vector.shape_cast %convert_element_type3A_1065 : vector<256x128xi32> to vector<1x256x128xi32>
    %reduce_sum3A_1067 = arith.constant dense<0> : vector<1xi32>
    %reduce_sum3A_1068 = vector.multi_reduction <add>, %reduce_sum3A_1066, %reduce_sum3A_1067 [1, 2] : vector<1x256x128xi32> to vector<1xi32>
    %reduce_sum3A_1069 = vector.shape_cast %reduce_sum3A_1068 : vector<1xi32> to vector<1x1x1xi32>
    %reduce_sum3A_1070 = vector.extract %reduce_sum3A_1069[0, 0, 0] : i32 from vector<1x1x1xi32>
    %jit3A_1071 = arith.constant 0.000000e+00 : f32
    %broadcast_in_dim3A_1072 = vector.broadcast %jit3A_1071 : f32 to vector<256x128xf32>
    %select_n3A_1073 = arith.select %gt3A_1064, %select_n3A_469, %broadcast_in_dim3A_1072 : vector<256x128xi1>, vector<256x128xf32>
    %reduce_sum3A_1074 = vector.shape_cast %select_n3A_1073 : vector<256x128xf32> to vector<1x256x128xf32>
    %reduce_sum3A_1075 = arith.constant dense<0.000000e+00> : vector<1xf32>
    %reduce_sum3A_1076 = vector.multi_reduction <add>, %reduce_sum3A_1074, %reduce_sum3A_1075 [1, 2] : vector<1x256x128xf32> to vector<1xf32>
    %reduce_sum3A_1077 = vector.shape_cast %reduce_sum3A_1076 : vector<1xf32> to vector<1x1x1xf32>
    %reduce_sum3A_1078 = vector.extract %reduce_sum3A_1077[0, 0, 0] : f32 from vector<1x1x1xf32>
    %bitcast_convert_type3A_1079 = arith.bitcast %select_n3A_1062 : i32 to f32
    %sub3A_1080 = arith.subi %mul3A_43, %reduce_sum3A_1070 : i32
    %convert_element_type3A_1081 = arith.sitofp %sub3A_1080 : i32 to f32
    %gt3A_1082 = arith.cmpi sgt, %mul3A_43, %reduce_sum3A_1070 : i32
    %mul3A_1083 = arith.mulf %convert_element_type3A_1081, %bitcast_convert_type3A_1079 : f32
    %jit3A_1084 = arith.constant 0.000000e+00 : f32
    %select_n3A_1085 = arith.select %gt3A_1082, %mul3A_1083, %jit3A_1084 : f32
    %add3A_1086 = arith.addf %reduce_sum3A_1078, %select_n3A_1085 : f32
    %convert_element_type3A_1087 = arith.sitofp %reduce_sum3A_41 : i32 to f32
    %max3A_1088 = arith.constant 1.000000e+00 : f32
    %max3A_1089 = arith.maximumf %convert_element_type3A_1087, %max3A_1088 : f32
    %div3A = arith.divf %reduce_sum3A_465, %max3A_1089 : f32
    %mul3A_1090 = arith.constant 3.000000e+00 : f32
    %mul3A_1091 = arith.mulf %mul3A_1090, %convert_element_type3A_1087 : f32
    %max3A_1092 = arith.constant 1.000000e+00 : f32
    %max3A_1093 = arith.maximumf %mul3A_1091, %max3A_1092 : f32
    %div3A_1094 = arith.divf %add3A_1086, %max3A_1093 : f32
    %add3A_1095 = arith.addf %div3A, %div3A_1094 : f32
    %mul3A_1096 = arith.constant 4.000000e+00 : f32
    %mul3A_1097 = arith.mulf %mul3A_1096, %convert_element_type3A_1087 : f32
    %max3A_1098 = arith.constant 1.000000e+00 : f32
    %max3A_1099 = arith.maximumf %mul3A_1097, %max3A_1098 : f32
    %div3A_1100 = arith.divf %reduce_sum3A_511, %max3A_1099 : f32
    %eq3A_1101 = arith.constant 0 : i32
    %eq3A_1102 = arith.cmpi eq, %arg0, %eq3A_1101 : i32
    %convert_element_type3A_1103 = arith.extui %eq3A_1102 : i1 to i32
    %cond3A = arith.constant 0 : i32
    %cond3A_1104 = arith.cmpi ne, %convert_element_type3A_1103, %cond3A : i32
    scf.if %cond3A_1104 {
      %swap3A_1114 = arith.constant 0.000000e+00 : f32
      %swap3A_1115 = arith.constant 0 : index
      %swap3A_1116 = arith.constant 0 : index
      %swap3A_1117 = memref.load %arg6[%swap3A_1115, %swap3A_1116] : memref<1x1xf32, #tpu.memory_space<smem>>
      memref.store %swap3A_1114, %arg6[%swap3A_1115, %swap3A_1116] : memref<1x1xf32, #tpu.memory_space<smem>>
    } else {
    }
    %get3A_1105 = arith.constant 0 : index
    %get3A_1106 = arith.constant 0 : index
    %get3A_1107 = memref.load %arg6[%get3A_1105, %get3A_1106] : memref<1x1xf32, #tpu.memory_space<smem>>
    %add3A_1108 = arith.addf %add3A_1095, %div3A_1100 : f32
    %mul3A_1109 = arith.constant 6.250000e-02 : f32
    %mul3A_1110 = arith.mulf %add3A_1108, %mul3A_1109 : f32
    %add3A_1111 = arith.addf %get3A_1107, %mul3A_1110 : f32
    %swap3A = arith.constant 0 : index
    %swap3A_1112 = arith.constant 0 : index
    %swap3A_1113 = memref.load %arg6[%swap3A, %swap3A_1112] : memref<1x1xf32, #tpu.memory_space<smem>>
    memref.store %add3A_1111, %arg6[%swap3A, %swap3A_1112] : memref<1x1xf32, #tpu.memory_space<smem>>
    return
  }
  func.func @transform_0(%arg0: i32) -> (i32, i32, i32, i32) {
    %c0_i32 = arith.constant 0 : i32
    %c0_i32_0 = arith.constant 0 : i32
    %c0_i32_1 = arith.constant 0 : i32
    %c0_i32_2 = arith.constant 0 : i32
    return %arg0, %c0_i32, %c0_i32_0, %c0_i32_1 : i32, i32, i32, i32
  }
  func.func @transform_1(%arg0: i32) -> (i32, i32, i32, i32) {
    %c0_i32 = arith.constant 0 : i32
    %c0_i32_0 = arith.constant 0 : i32
    %c0_i32_1 = arith.constant 0 : i32
    %c0_i32_2 = arith.constant 0 : i32
    return %arg0, %c0_i32, %c0_i32_0, %c0_i32_1 : i32, i32, i32, i32
  }
  func.func @transform_2(%arg0: i32) -> (i32, i32, i32) {
    %c0_i32 = arith.constant 0 : i32
    %c0_i32_0 = arith.constant 0 : i32
    %c0_i32_1 = arith.constant 0 : i32
    %c0_i32_2 = arith.constant 0 : i32
    return %c0_i32, %c0_i32_0, %c0_i32_1 : i32, i32, i32
  }
  func.func @transform_3(%arg0: i32) -> (i32, i32, i32) {
    %c0_i32 = arith.constant 0 : i32
    %c0_i32_0 = arith.constant 0 : i32
    %c0_i32_1 = arith.constant 0 : i32
    return %arg0, %c0_i32, %c0_i32_0 : i32, i32, i32
  }
  func.func @transform_4(%arg0: i32) -> (i32, i32, i32) {
    %c0_i32 = arith.constant 0 : i32
    %c0_i32_0 = arith.constant 0 : i32
    %c0_i32_1 = arith.constant 0 : i32
    return %arg0, %c0_i32, %c0_i32_0 : i32, i32, i32
  }
  func.func @transform_5(%arg0: i32) -> (i32, i32) {
    %c0_i32 = arith.constant 0 : i32
    %c0_i32_0 = arith.constant 0 : i32
    %c0_i32_1 = arith.constant 0 : i32
    return %c0_i32, %c0_i32_0 : i32, i32
  }
}

</mosaic_0001>

<sc_bundles>
// kernel: sparse-core-data-format-call.cloned.1.call-start
scs
called_computation_lowered:
.L_overlay_start_0:
0x0: {  	s2 =	sld [smem:$0x3FD9]  }
0x1: {  	s3 =	sld [smem:$0x3FFE];
	_ =	sdelay $0x1  }
0x2: {  	s1 =	srdreg.scid  }
0x3: {  	s0 =	sand.u32 $0x1, s1  }
0x4: {  	s18 =	sshll.u32 s0, $0xA;
	s2 =	sadd.s32 s3, s2  }
0x5: {  	s2 =	sadd.s32 s2, s18  }
0x6: {  	[smem:$0x3FC3] =	sst s2  }
0x7: {  	_ = 	snop  }
0x8: {  	s2 =	sld [smem:$0x3FC9];
	(tm) =	ssettm $0x1  }
0x9: {  	s19 =	sld [smem:$0x3FFB];
	_ =	sdelay $0x3  }
0xa: {  	_ =	strace s19  }
0xb: {  	s3 =	sld [smem:$0x3FFC];
	_ =	sdelay $0x3  }
0xc: {  	_ =	strace s3  }
0xd: {  	s3 =	sld [smem:$0x3FFD];
	_ =	sdelay $0x3  }
0xe: {  	_ =	strace s3  }
0xf: {  	_ =	strace $0x8FFFFFFF  }
0x10: {  	s20 =	sld [smem:$0x3FDB];
	_ =	sdelay $0x1  }
0x11: {  	s4 =	simm.s32 $_scs_section_size  }
0x12: {  	s5 =	simm.s32 $_size__tile_overlayer_lowered;
	s6 =	simm.s32 $_tile_overlayer_lowered  }
0x13: {  	s23 =	simm.s32 $0x1BFF;
	s22 =	sshll.u32 s6, $0x1;
	s3 =	sadd.s32 s4, s20  }
0x14: {  	s7 =	simm.s32 $0x0;
	s21 =	sshll.u32 s5, $0x1;
	s5 =	sadd.s32 s22, s3  }
0x15: {  	[timem:s7], [sflag:s23] =	dma.local [hbm:s5], s21  }
0x16: {  	_ =	swait.ge [sflag:s23], s21  }
0x17: {  	s4 =	ssub.s32 $0x0, s21;
	[sflag:s23] =	ssyncset.done $0x0  }
0x18: {  	[sflag:s23] =	ssyncadd.s32 s4;
	_ =	sdelay $0x1  }
0x19: {  	s24 =	simm.s32 $0x1B8B  }
0x1a: {  	_ =	swait.ge [sflag:s24], $0x1  }
0x1b: {  	[sflag:s24] =	ssyncset.done $0x0  }
0x1c: {  	s26 =	simm.s32 $0x1B8E;
	s25 =	sld [smem:$0x3FFE];
	[sflag:s24] =	ssyncadd.s32 $0xFFFFFFFF  }
0x1d: {  	s27 =	simm.s32 $execute0_lowered;
	[smem:$0x3FD2] =	sst s26  }
0x1e: {  	s5 =	sshll.u32 s27, $0x1;
	_ =	strace $0x80000046;
	[dreg:$0x1] =	wrdreg $0xFFFFFFFF  }
0x1f: {  	s28 =	simm.s32 $_size_execute0_lowered;
	s3 =	sadd.s32 s3, s5;
	[dreg:$0x0] =	wrdreg $0x0  }
0x20: {  	s5 =	sshll.u32 s28, $0x1;
	[dreg:$0x2] =	wrdreg s3  }
0x21: {  	[dreg:$0x3] =	wrdreg s5  }
0x22: {  	[dreg:$0x4] =	wrdreg $0xC0  }
0x23: {  	_ =	task [dreg:s7], $0x5FFFF  }
0x24: {  	[dreg:$0x1] =	wrdreg $0xFFFFFFFF  }
0x25: {  	[dreg:$0x0] =	wrdreg $0x60  }
0x26: {  	[dreg:$0x2] =	wrdreg s2  }
0x27: {  	[dreg:$0x3] =	wrdreg s25  }
0x28: {  	[dreg:$0x4] =	wrdreg $0x9  }
0x29: {  	_ =	task.clear_ibuf [dreg:s7], $0x5FFFF;
	_ =	strace $0x90000046  }
0x2a: {  	s29 =	simm.s32 $0x9;
	_ =	strace $0x80000048  }
0x2b: {  	_ =	swait.ge [sflag:s29], $0x1  }
0x2c: {  	[sflag:s29] =	ssyncadd.s32 $0xFFFFFFFF  }
0x2d: {  	_ =	strace $0x90000048  }
0x2e: {  	_ =	sfence  }
0x2f: {  	s30 =	sld [smem:$0x0];
	_ =	sdelay $0x2  }
0x30: {  	s31 =	sshll.u32 s1, $0xD;
	s1 =	sshrl.u32 s1, $0x2  }
0x31: {  	s3 =	sand.u32 $0x4000, s31;
	s1 =	sadd.s32 s1, s30  }
0x32: {  	s0 =	sor.u32 s3, s0;
	s1 =	sshll.u32 s1, $0x11  }
0x33: {  	s0 =	sor.u32 s1, s0  }
0x34: {  	s0 =	sadd.s32 $0x8F2B, s0  }
0x35: {  	[sflag:s0] =	ssyncadd.remote.s32 $0x1  }
0x36: {  	_ =	sfence.sel $0xFFFF  }
0x37: {  	[dreg:$0x0] =	wrdreg $0xFFFFFFFF;
	(pc) =	sbr.abs _section_cstart, $3  }
0x38: {  	[dreg:$0x1] =	wrdreg $0xFFFFFFFF  }
0x39: {  	_ =	task.clear_ibuf [dreg:s7], $0x2FFFF;
	_ =	strace $0x9FFFFFFF  }
0x3a: {  	(tm) =	ssettm $0x7FFFFFFF  }
0x3b: {  	_ =	shalt  }
tec
execute0_lowered:
.L_overlay_start_1:
0x0: {  	(tag) =	ssettag $0x1  }
0x1: {  	s0 =	stileid.u32  }
0x2: {  	s1 =	srdreg.scid;
	s7 =	rddreg [dreg:$0x0]  }
0x3: {  	s4 =	rddreg [dreg:$0x1];
	s30 =	simm.s32 $0x2;
	s14 =	simm.s32 $0x0  }
0x4: {  	s10 =	simm.s32 $0x8000;
	s2 =	sshll.u32 s0, $0x3;
	s1 =	sshll.u32 s1, $0x7  }
0x5: {  	s11 =	simm.s32 $0x0;
	s15 =	simm.s32 $0x0;
	s1 =	sor.u32 s2, s1  }
0x6: {  	s13 =	simm.s32 $0x0;
	s3 =	sand.u32 $0x1, s0;
	s2 =	sand.u32 $0xF0, s1  }
0x7: {  	s4 =	sadd.s32 $0xC00, s4;
	s6 =	ssub.s32 $0x2A, s3;
	s5 =	ssub.s32 $0x100, s2  }
0x8: {  	s12 =	smov.u32 s3;
	s9 =	sshrl.u32 s6, $0x1;
	s8 =	sand.u32 $0xF0, s5  }
0x9: {  	s6 =	sand.u32 $0x1, s6;
	p0 =	sne.s32 s8, $0x0;
	s8 =	simm.s32 $0x1  }
.Ltmp0:
0xa: {  	s5 =	sshrl.u32 s5, $0x8;
	s8 =	simm.s32 @!p0 $0x0;
	(pc) =	sbr.rel .LBB1_1-.Ltmp0, $4  }
0xb: {  	s1 =	rddreg [dreg:$0x2];
	s6 =	sadd.s32 s6, s9;
	s8 =	sadd.s32 s8, s5  }
0xc: {  	_ =	strace $0x80000047;
	s5 =	simm.s32 $0x1;
	s6 =	smul.u32 s6, s8  }
0xd: {  	s31 =	sshll.u32 s2, $0x7;
	s9 =	simm.s32 $0x800;
	[sflag:s5] =	ssyncpa.u1 $0x0  }
0xe: {  	s7 =	sadd.s32 s7, s31;
	[sflag:s30] =	ssyncpa.u1 $0x0;
	s8 =	sadd.s32 $0x1, s6  }
.LBB1_7:
0xf: {  	s16 =	sadd.s32 $0x2, s12  }
0x10: {  	p1 =	sgt.s32 s16, $0x29  }
0x11: {  	s16 =	smov.u32 @p1 s3;
	p1 =	sne.s32 s13, s8  }
.Ltmp1:
0x12: {  	p0 =	slt.u32 s13, $0x2;
	(pc) =	sbr.rel @!p1 .LBB1_8-.Ltmp1, $4  }
0x13: {  	s14 =	simm.s32 @!p0 $0x2  }
0x14: {  	s17 =	sadd.s32 $0x1, s13;
	s15 =	smov.u32 s12;
	_ =	swait.ge @!p0 [sflag:s14], $0x4000  }
0x15: {  	s11 =	sadd.s32 $0x4000, s11;
	s13 =	smov.u32 s17;
	[sflag:s14] =	ssyncset.done @!p0 $0x0  }
0x16: {  	s12 =	smov.u32 s16;
	[sflag:s14] =	ssyncadd.s32 @!p0 $0xFFFFC000;
	s14 =	smov.u32 s2  }
.LBB1_1:
0x17: {  	p0 =	sge.u32 s13, s6  }
0x18: {  	s16 =	sxor.u32 @!p0 $0xFFFFFFFF, s13  }
0x19: {  	s31 =	sadd.s32 $0xFFFFFFFF, s13;
	s17 =	sshll.u32 @!p0 s12, $0xF;
	s16 =	sshll.u32 @!p0 s16, $0xE  }
0x1a: {  	s18 =	simm.s32 @!p0 $0x0;
	s17 =	sadd.s32 @!p0 s17, s7;
	s16 =	sand.u32 @!p0 $0x4000, s16  }
0x1b: {  	[tilespmem:s16], [sflag:$0x1] =	stream.linear.gather @!p0 [hbm4b:s17+s18], $0x4000, $0x38;
	[tilespmem:$0x10000] =	vst v63  }
0x1c: {  	p0 =	sge.u32 s31, s6  }
.Ltmp2:
0x1d: {  	_ = 	snop;
	(pc) =	sbr.rel @p0 .LBB1_7-.Ltmp2, $1  }
0x1e: {  	_ =	sdelay $0x3  }
0x1f: {  	s17 =	sand.u32 $0x4000, s11  }
0x20: {  	_ =	swait.ge [sflag:s5], $0x4000;
	s19 =	sshll.u32 s13, $0xE;
	s16 =	sor.u32 $0x8040, s17  }
0x21: {  	s18 =	sor.u32 $0x40, s17;
	[sflag:s5] =	ssyncset.done $0x0;
	s31 =	sand.u32 $0x4000, s19  }
0x22: {  	s19 =	simm.s32 $0x0;
	[sflag:s5] =	ssyncadd.s32 $0xFFFFC000;
	s17 =	sor.u32 $0x8000, s31  }
.LBB1_3:
0x23: {  	v0 =	vmov s18;
	_ =	sdelay $0x3  }
0x24: {  	s21 =	simm.s32 $0x0  }
0x25: {  	v6 =	vld.idx.msk [tilespmem:v0+s21+$0x30 ss:$0x1], $0xffff  }
0x26: {  	v7 =	vld.idx.msk [tilespmem:v0+s21+$0xFFFFFFC0 ss:$0x1], $0xffff  }
0x27: {  	v5 =	vld.idx.msk [tilespmem:v0+s21+$0xFFFFFFD0 ss:$0x1], $0xffff  }
0x28: {  	v4 =	vld.idx.msk [tilespmem:v0+s21+$0xFFFFFFE0 ss:$0x1], $0xffff  }
0x29: {  	v3 =	vld.idx.msk [tilespmem:v0+s21+$0xFFFFFFF0 ss:$0x1], $0xffff  }
0x2a: {  	v1 =	vld.idx.msk [tilespmem:v0+s21+$0x0 ss:$0x1], $0xffff  }
0x2b: {  	v2 =	vld.idx.msk [tilespmem:v0+s21+$0x10 ss:$0x1], $0xffff;
	[tilespmem:s16+$0x30] =	vst v6  }
0x2c: {  	s20 =	simm.s32 $0x80;
	s22 =	simm.s32 $0x400;
	[tilespmem:s16+$0xFFFFFFC0] =	vst v7;
	v6 =	vld.idx.msk [tilespmem:v0+s21+$0x20 ss:$0x1], $0xffff;
	s21 =	smov.u32 s16  }
.LBB1_4:
0x2d: {  	p0 =	sne.s32 s22, $0xE00;
	v7 =	vld.idx.msk [tilespmem:v0+s20+$0x30 ss:$0x1], $0xffff;
	[tilespmem:s21+$0xFFFFFFD0] =	vst v5  }
0x2e: {  	v8 =	vld.idx.msk [tilespmem:v0+s20+$0xFFFFFFC0 ss:$0x1], $0xffff;
	[tilespmem:s21+$0xFFFFFFE0] =	vst v4  }
0x2f: {  	v5 =	vld.idx.msk [tilespmem:v0+s20+$0xFFFFFFD0 ss:$0x1], $0xffff;
	[tilespmem:s21+$0xFFFFFFF0] =	vst v3  }
.Ltmp3:
0x30: {  	v4 =	vld.idx.msk [tilespmem:v0+s20+$0xFFFFFFE0 ss:$0x1], $0xffff;
	[tilespmem:s21+$0x0] =	vst v1;
	(pc) =	sbr.rel @p0 .LBB1_4-.Ltmp3, $4  }
0x31: {  	v3 =	vld.idx.msk [tilespmem:v0+s20+$0xFFFFFFF0 ss:$0x1], $0xffff;
	[tilespmem:s21+$0x10] =	vst v2  }
0x32: {  	v1 =	vld.idx.msk [tilespmem:v0+s20+$0x0 ss:$0x1], $0xffff;
	[tilespmem:s21+$0x20] =	vst v6;
	s21 =	sadd.s32 $0x800, s21  }
0x33: {  	v2 =	vld.idx.msk [tilespmem:v0+s20+$0x10 ss:$0x1], $0xffff;
	[tilespmem:s21+$0x30] =	vst v7  }
0x34: {  	[tilespmem:s21+$0xFFFFFFC0] =	vst v8;
	v6 =	vld.idx.msk [tilespmem:v0+s20+$0x20 ss:$0x1], $0xffff;
	s20 =	sshra.s32 s22, $0x2;
	s22 =	sadd.s32 $0x200, s22  }
0x35: {  	_ =	sdelay $0x2  }
0x36: {  	[tilespmem:s21+$0xFFFFFFD0] =	vst v5  }
0x37: {  	v56 =	vld.idx.msk [tilespmem:v0+s20+$0x30 ss:$0x1], $0xffff;
	[tilespmem:s21+$0xFFFFFFE0] =	vst v4  }
0x38: {  	v57 =	vld.idx.msk [tilespmem:v0+s20+$0xFFFFFFC0 ss:$0x1], $0xffff;
	[tilespmem:s21+$0xFFFFFFF0] =	vst v3  }
0x39: {  	v58 =	vld.idx.msk [tilespmem:v0+s20+$0xFFFFFFD0 ss:$0x1], $0xffff;
	[tilespmem:s21+$0x0] =	vst v1  }
0x3a: {  	v59 =	vld.idx.msk [tilespmem:v0+s20+$0xFFFFFFE0 ss:$0x1], $0xffff;
	[tilespmem:s21+$0x10] =	vst v2  }
0x3b: {  	v60 =	vld.idx.msk [tilespmem:v0+s20+$0xFFFFFFF0 ss:$0x1], $0xffff;
	s31 =	sadd.s32 $0x800, s21;
	[tilespmem:s21+$0x20] =	vst v6  }
0x3c: {  	v61 =	vld.idx.msk [tilespmem:v0+s20+$0x0 ss:$0x1], $0xffff;
	[tilespmem:s31+$0x30] =	vst v56  }
0x3d: {  	v62 =	vld.idx.msk [tilespmem:v0+s20+$0x10 ss:$0x1], $0xffff;
	s19 =	sadd.s32 $0x1, s19;
	[tilespmem:s31+$0xFFFFFFC0] =	vst v57  }
0x3e: {  	v63 =	vld.idx.msk [tilespmem:v0+s20+$0x20 ss:$0x1], $0xffff;
	p0 =	sne.s32 s19, $0x10;
	[tilespmem:s31+$0xFFFFFFD0] =	vst v58  }
.Ltmp4:
0x3f: {  	[tilespmem:s31+$0xFFFFFFE0] =	vst v59;
	(pc) =	sbr.rel @p0 .LBB1_3-.Ltmp4, $4  }
0x40: {  	[tilespmem:s31+$0xFFFFFFF0] =	vst v60  }
0x41: {  	[tilespmem:s31+$0x0] =	vst v61  }
0x42: {  	[tilespmem:s31+$0x10] =	vst v62  }
0x43: {  	s16 =	sadd.s32 $0x80, s16;
	s18 =	sadd.s32 $0x400, s18;
	[tilespmem:s31+$0x20] =	vst v63  }
.Ltmp5:
0x44: {  	(pc) =	sbr.rel .LBB1_7-.Ltmp5, $4  }
0x45: {  	s15 =	sshll.u32 s15, $0xF  }
0x46: {  	s14 =	sshll.u32 s14, $0x4;
	s15 =	sadd.s32 s4, s15  }
0x47: {  	s14 =	sadd.s32 s14, s15  }
0x48: {  	[hbm4b:s14+s9] =	stream.strided.scatter [tilespmem:s17], [sflag:$0x2], $0x4000, s10, s9, $0x38;
	[tilespmem:$0x10000] =	vst v63  }
.LBB1_8:
0x49: {  	_ =	sfence.sel $0x180000  }
0x4a: {  	s2 =	simm.s32 $0x1;
	[bflag:$0x0] =	sbarrier.arrive $0xFFFF  }
0x4b: {  	s31 =	simm.s32 $0x2;
	[sflag:s2] =	ssyncpa.u1 $0x1  }
0x4c: {  	[sflag:s31] =	ssyncpa.u1 $0x1  }
0x4d: {  	p0 =	sne.s32 s0, $0x0;
	_ =	strace $0x90000047  }
0x4e: {  	s0 =	sadd.s32 @!p0 $0x100000, s1;
	[bflag:$0x2] =	sbarrier.arrive $0xFFFF  }
0x4f: {  	[sflag:s0] =	ssyncadd.tile.s32 @!p0 $0x1;
	_ =	shalt  }
.Lfunc_end1:
_tile_overlayer_lowered:
.L_overlay_start_2:
0x50: {  	(tag) =	ssettag $0x2  }
0x51: {  	s0 =	rddreg [dreg:$0x0];
	s2 =	stileid.u32  }
0x52: {  	s1 =	rddreg [dreg:$0x1];
	p0 =	sne.s32 s2, $0x0  }
0x53: {  	s3 =	rddreg [dreg:$0x2];
	[bflag:$0x3] =	sbarrier.arrive $0xFFFF;
	s2 =	simm.s32 @!p0 $0x1C01  }
0x54: {  	[timem:s3], [sflag:s2] =	dma.local @!p0 [hbm:s0], s1  }
0x55: {  	s0 =	simm.s32 @!p0 $0x1  }
0x56: {  	_ =	swait.ge @!p0 [sflag:s0], s1  }
0x57: {  	s1 =	ssub.s32 @!p0 $0x0, s1;
	[sflag:s0] =	ssyncset.done @!p0 $0x0  }
0x58: {  	[sflag:s0] =	ssyncadd.s32 @!p0 s1  }
0x59: {  	[bflag:$0x3] =	sbarrier.arrive $0xFFFF  }
0x5a: {  	_ =	shalt  }

</sc_bundles>
